<compile_context>
chip_gen: v7x
topology: tpu7x:2x2x1
jax: 0.10.2.dev20260603
libtpu: 0.0.44.dev20260713+nightly
codegen_flags: <defaults>
</compile_context>

<pallas_src>
import jax
import jax.numpy as jnp
from jax import lax
from jax.experimental import pallas as pl
from jax.experimental.pallas import tpu as pltpu
from jax.experimental.pallas import tpu_sc as plsc

D = 64
DP = 128
NC = 2
NS = 16
NW = NC * NS
NBUF = 8
LOOKA = 5


def _emb_body(x_hbm, table_hbm, out_hbm, idx_v, rows_v, gsem, wsem):
    nch = x_hbm.shape[0] // NW
    S = x_hbm.shape[1]
    wid = lax.axis_index("s") * NC + lax.axis_index("c")
    base = wid * nch

    pltpu.sync_copy(x_hbm.at[pl.ds(base, nch)], idx_v)

    def gather_start(c, b):
        pltpu.make_async_copy(
            table_hbm.at[idx_v.at[c]], rows_v.at[b], gsem.at[b]
        ).start()

    def gather_wait(c, b):
        pltpu.make_async_copy(
            table_hbm.at[idx_v.at[c]], rows_v.at[b], gsem.at[b]
        ).wait()

    def write_start(c, b):
        pltpu.make_async_copy(
            rows_v.at[b],
            out_hbm.at[pl.ds((base + c) * S, S), pl.ds(0, D)],
            wsem.at[b],
        ).start()

    def write_wait(c, b):
        pltpu.make_async_copy(
            rows_v.at[b],
            out_hbm.at[pl.ds((base + c) * S, S), pl.ds(0, D)],
            wsem.at[b],
        ).wait()

    for c in range(LOOKA):
        gather_start(c, c % NBUF)

    n_groups = nch // NBUF

    def group(g, carry):
        for u in range(NBUF):
            c = g * NBUF + u
            b = u
            gather_wait(c, b)
            write_start(c, b)
            q = c + LOOKA
            bq = (u + LOOKA) % NBUF

            @pl.when(q < nch)
            def _arm_next():
                @pl.when(q >= NBUF)
                def _drain_old_write():
                    write_wait(q - NBUF, bq)

                gather_start(q, bq)

        return carry

    lax.fori_loop(0, n_groups, group, 0, unroll=False)

    for c in range(nch - NBUF, nch):
        write_wait(c, c % NBUF)


def kernel(x, table):
    B, S = x.shape
    nch = B // NW
    idx = x.astype(jnp.int32) * 2
    tablep = jnp.pad(table, ((0, 0), (0, DP - D)))
    tablep2 = tablep.reshape(2 * tablep.shape[0], D)

    emb = pl.kernel(
        _emb_body,
        out_type=jax.ShapeDtypeStruct((B * S, DP), jnp.float32),
        mesh=plsc.VectorSubcoreMesh(
            core_axis_name="c", subcore_axis_name="s",
            num_cores=NC, num_subcores=NS,
        ),
        scratch_types=[
            pltpu.VMEM((nch, S), jnp.int32),
            pltpu.VMEM((NBUF, S, D), jnp.float32),
            pltpu.SemaphoreType.DMA((NBUF,)),
            pltpu.SemaphoreType.DMA((NBUF,)),
        ],
        compiler_params=pltpu.CompilerParams(use_tc_tiling_on_sc=False),
    )
    outp = emb(idx, tablep2)
    return outp[:, :D].reshape(B, S, D)

# --- scband reference (transcript-rebuilt; emitter-appended) ---
"""Pipeline reference for scband-token-embedding-26233660244326 (READ-ONLY COPY).

The authoritative reference and input builder live on the scoring server;
editing this copy changes nothing except your own understanding.
"""

import jax, jax.numpy as jnp
import numpy as np

VOCAB = 1000000
D_MODEL = 64

def setup_inputs(seed: int = 0) -> dict:
    key = jax.random.key(seed)
    k_idx, k_tab = jax.random.split(key)
    x = jax.random.randint(k_idx, (4096, 200), 0, VOCAB, dtype=jnp.int64)
    table = jax.random.normal(k_tab, (VOCAB, D_MODEL), dtype=jnp.float32)
    return {"x": x, "table": table}

def reference(x, table):
    # nn.Embedding forward: row gather from the embedding table
    return jnp.take(table, x, axis=0)

if __name__ == "__main__":
    import jax
    _d = setup_inputs()
    print(jax.jit(kernel)(*tuple(_d.values())))

</pallas_src>

<mosaic_0001>
#map = affine_map<(d0, d1) -> (0, 0)>
module attributes {stable_mosaic.version = 14 : i64} {
  func.func @_emb_body(%arg0: i32, %arg1: i32, %arg2: memref<4096x200xi32, #tpu.memory_space<hbm>>, %arg3: memref<2000000x64xf32, #tpu.memory_space<hbm>>, %arg4: memref<819200x128xf32, #tpu.memory_space<hbm>>, %arg5: memref<128x200xi32, #tpu.memory_space<vmem>>, %arg6: memref<8x200x64xf32, #tpu.memory_space<vmem>>, %arg7: memref<8x!tpu.dma_semaphore, #tpu.memory_space<semaphore_mem>>, %arg8: memref<8x!tpu.dma_semaphore, #tpu.memory_space<semaphore_mem>>) attributes {dimension_semantics = [#tpu.dimension_semantics<core_parallel>, #tpu.dimension_semantics<subcore_parallel>], iteration_bounds = array<i64: 2, 16>, scalar_prefetch = 0 : i64, scratch_operands = 4 : i64, tpu.core_type = #tpu.core_type<sc_vector_subcore>, window_params = [{transform_indices = #map}, {transform_indices = #map}, {transform_indices = #map}]} {
    %mul3A = arith.constant 2 : i32
    %mul3A_0 = arith.muli %arg1, %mul3A : i32
    %add3A = arith.addi %mul3A_0, %arg0 : i32
    %mul3A_1 = arith.constant 128 : i32
    %mul3A_2 = arith.muli %add3A, %mul3A_1 : i32
    "tpu.region"() ({
      %run_scoped3A = tpu.sem_alloc : memref<!tpu.dma_semaphore, #tpu.memory_space<semaphore_mem>>
      %dma_start3A_241 = arith.constant 0 : i32
      %dma_start3A_242 = tpu.memref_slice %arg2[%mul3A_2, %dma_start3A_241] : memref<4096x200xi32, #tpu.memory_space<hbm>> -> memref<128x200xi32, #tpu.memory_space<hbm>>
      %dma_start3A_243 = arith.constant 0 : i32
      %dma_start3A_244 = tpu.memref_slice %arg2[%mul3A_2, %dma_start3A_243] : memref<4096x200xi32, #tpu.memory_space<hbm>> -> memref<128x200xi32, #tpu.memory_space<hbm>>
      tpu.enqueue_dma source(%dma_start3A_244 : memref<128x200xi32, #tpu.memory_space<hbm>>) target(%arg5 : memref<128x200xi32, #tpu.memory_space<vmem>>) target_semaphore(%run_scoped3A : memref<!tpu.dma_semaphore, #tpu.memory_space<semaphore_mem>>)
      %dma_wait3A_245 = arith.constant 0 : i32
      %dma_wait3A_246 = tpu.memref_slice %arg2[%mul3A_2, %dma_wait3A_245] : memref<4096x200xi32, #tpu.memory_space<hbm>> -> memref<128x200xi32, #tpu.memory_space<hbm>>
      %dma_wait3A_247 = arith.constant 0 : i32
      %dma_wait3A_248 = tpu.memref_slice %arg2[%mul3A_2, %dma_wait3A_247] : memref<4096x200xi32, #tpu.memory_space<hbm>> -> memref<128x200xi32, #tpu.memory_space<hbm>>
      tpu.wait_dma2 semaphore(%run_scoped3A : memref<!tpu.dma_semaphore, #tpu.memory_space<semaphore_mem>>) src(%dma_wait3A_248 : memref<128x200xi32, #tpu.memory_space<hbm>>) dst(%arg5 : memref<128x200xi32, #tpu.memory_space<vmem>>)
      tpu.yield
    }) : () -> ()
    %dma_start3A = arith.constant 0 : i32
    %dma_start3A_3 = arith.constant 0 : i32
    %dma_start3A_4 = arith.constant 0 : i32
    %dma_start3A_5 = arith.constant 0 : i32
    %dma_start3A_6 = arith.constant 0 : i32
    %dma_start3A_7 = tpu.memref_slice %arg6[%dma_start3A_3, %dma_start3A_5, %dma_start3A_6] : memref<8x200x64xf32, #tpu.memory_space<vmem>> -> memref<1x200x64xf32, #tpu.memory_space<vmem>>
    %dma_start3A_8 = tpu.memref_squeeze %dma_start3A_7 : memref<1x200x64xf32, #tpu.memory_space<vmem>> -> memref<200x64xf32, #tpu.memory_space<vmem>>
    %dma_start3A_9 = arith.constant 0 : i32
    %dma_start3A_10 = tpu.memref_slice %arg5[%dma_start3A, %dma_start3A_9] : memref<128x200xi32, #tpu.memory_space<vmem>> -> memref<1x200xi32, #tpu.memory_space<vmem>>
    %dma_start3A_11 = tpu.memref_squeeze %dma_start3A_10 : memref<1x200xi32, #tpu.memory_space<vmem>> -> memref<200xi32, #tpu.memory_space<vmem>>
    %dma_start3A_12 = arith.constant 0 : i32
    %dma_start3A_13 = arith.constant 0 : i32
    %dma_start3A_14 = tpu.memref_slice %arg3[%dma_start3A_12, %dma_start3A_13] : memref<2000000x64xf32, #tpu.memory_space<hbm>> -> memref<2000000x64xf32, #tpu.memory_space<hbm>>
    %dma_start3A_15 = tpu.memref_slice %arg7[%dma_start3A_4] : memref<8x!tpu.dma_semaphore, #tpu.memory_space<semaphore_mem>> -> memref<1x!tpu.dma_semaphore, #tpu.memory_space<semaphore_mem>>
    %dma_start3A_16 = tpu.memref_squeeze %dma_start3A_15 : memref<1x!tpu.dma_semaphore, #tpu.memory_space<semaphore_mem>> -> memref<!tpu.dma_semaphore, #tpu.memory_space<semaphore_mem>>
    tpu.enqueue_indirect_dma source(%dma_start3A_14 : memref<2000000x64xf32, #tpu.memory_space<hbm>>) target(%dma_start3A_8 : memref<200x64xf32, #tpu.memory_space<vmem>>) offsets(%dma_start3A_11 : memref<200xi32, #tpu.memory_space<vmem>>) semaphore(%dma_start3A_16 : memref<!tpu.dma_semaphore, #tpu.memory_space<semaphore_mem>>)
    %dma_start3A_17 = arith.constant 1 : i32
    %dma_start3A_18 = arith.constant 1 : i32
    %dma_start3A_19 = arith.constant 1 : i32
    %dma_start3A_20 = arith.constant 0 : i32
    %dma_start3A_21 = arith.constant 0 : i32
    %dma_start3A_22 = tpu.memref_slice %arg6[%dma_start3A_18, %dma_start3A_20, %dma_start3A_21] : memref<8x200x64xf32, #tpu.memory_space<vmem>> -> memref<1x200x64xf32, #tpu.memory_space<vmem>>
    %dma_start3A_23 = tpu.memref_squeeze %dma_start3A_22 : memref<1x200x64xf32, #tpu.memory_space<vmem>> -> memref<200x64xf32, #tpu.memory_space<vmem>>
    %dma_start3A_24 = arith.constant 0 : i32
    %dma_start3A_25 = tpu.memref_slice %arg5[%dma_start3A_17, %dma_start3A_24] : memref<128x200xi32, #tpu.memory_space<vmem>> -> memref<1x200xi32, #tpu.memory_space<vmem>>
    %dma_start3A_26 = tpu.memref_squeeze %dma_start3A_25 : memref<1x200xi32, #tpu.memory_space<vmem>> -> memref<200xi32, #tpu.memory_space<vmem>>
    %dma_start3A_27 = arith.constant 0 : i32
    %dma_start3A_28 = arith.constant 0 : i32
    %dma_start3A_29 = tpu.memref_slice %arg3[%dma_start3A_27, %dma_start3A_28] : memref<2000000x64xf32, #tpu.memory_space<hbm>> -> memref<2000000x64xf32, #tpu.memory_space<hbm>>
    %dma_start3A_30 = tpu.memref_slice %arg7[%dma_start3A_19] : memref<8x!tpu.dma_semaphore, #tpu.memory_space<semaphore_mem>> -> memref<1x!tpu.dma_semaphore, #tpu.memory_space<semaphore_mem>>
    %dma_start3A_31 = tpu.memref_squeeze %dma_start3A_30 : memref<1x!tpu.dma_semaphore, #tpu.memory_space<semaphore_mem>> -> memref<!tpu.dma_semaphore, #tpu.memory_space<semaphore_mem>>
    tpu.enqueue_indirect_dma source(%dma_start3A_29 : memref<2000000x64xf32, #tpu.memory_space<hbm>>) target(%dma_start3A_23 : memref<200x64xf32, #tpu.memory_space<vmem>>) offsets(%dma_start3A_26 : memref<200xi32, #tpu.memory_space<vmem>>) semaphore(%dma_start3A_31 : memref<!tpu.dma_semaphore, #tpu.memory_space<semaphore_mem>>)
    %dma_start3A_32 = arith.constant 2 : i32
    %dma_start3A_33 = arith.constant 2 : i32
    %dma_start3A_34 = arith.constant 2 : i32
    %dma_start3A_35 = arith.constant 0 : i32
    %dma_start3A_36 = arith.constant 0 : i32
    %dma_start3A_37 = tpu.memref_slice %arg6[%dma_start3A_33, %dma_start3A_35, %dma_start3A_36] : memref<8x200x64xf32, #tpu.memory_space<vmem>> -> memref<1x200x64xf32, #tpu.memory_space<vmem>>
    %dma_start3A_38 = tpu.memref_squeeze %dma_start3A_37 : memref<1x200x64xf32, #tpu.memory_space<vmem>> -> memref<200x64xf32, #tpu.memory_space<vmem>>
    %dma_start3A_39 = arith.constant 0 : i32
    %dma_start3A_40 = tpu.memref_slice %arg5[%dma_start3A_32, %dma_start3A_39] : memref<128x200xi32, #tpu.memory_space<vmem>> -> memref<1x200xi32, #tpu.memory_space<vmem>>
    %dma_start3A_41 = tpu.memref_squeeze %dma_start3A_40 : memref<1x200xi32, #tpu.memory_space<vmem>> -> memref<200xi32, #tpu.memory_space<vmem>>
    %dma_start3A_42 = arith.constant 0 : i32
    %dma_start3A_43 = arith.constant 0 : i32
    %dma_start3A_44 = tpu.memref_slice %arg3[%dma_start3A_42, %dma_start3A_43] : memref<2000000x64xf32, #tpu.memory_space<hbm>> -> memref<2000000x64xf32, #tpu.memory_space<hbm>>
    %dma_start3A_45 = tpu.memref_slice %arg7[%dma_start3A_34] : memref<8x!tpu.dma_semaphore, #tpu.memory_space<semaphore_mem>> -> memref<1x!tpu.dma_semaphore, #tpu.memory_space<semaphore_mem>>
    %dma_start3A_46 = tpu.memref_squeeze %dma_start3A_45 : memref<1x!tpu.dma_semaphore, #tpu.memory_space<semaphore_mem>> -> memref<!tpu.dma_semaphore, #tpu.memory_space<semaphore_mem>>
    tpu.enqueue_indirect_dma source(%dma_start3A_44 : memref<2000000x64xf32, #tpu.memory_space<hbm>>) target(%dma_start3A_38 : memref<200x64xf32, #tpu.memory_space<vmem>>) offsets(%dma_start3A_41 : memref<200xi32, #tpu.memory_space<vmem>>) semaphore(%dma_start3A_46 : memref<!tpu.dma_semaphore, #tpu.memory_space<semaphore_mem>>)
    %dma_start3A_47 = arith.constant 3 : i32
    %dma_start3A_48 = arith.constant 3 : i32
    %dma_start3A_49 = arith.constant 3 : i32
    %dma_start3A_50 = arith.constant 0 : i32
    %dma_start3A_51 = arith.constant 0 : i32
    %dma_start3A_52 = tpu.memref_slice %arg6[%dma_start3A_48, %dma_start3A_50, %dma_start3A_51] : memref<8x200x64xf32, #tpu.memory_space<vmem>> -> memref<1x200x64xf32, #tpu.memory_space<vmem>>
    %dma_start3A_53 = tpu.memref_squeeze %dma_start3A_52 : memref<1x200x64xf32, #tpu.memory_space<vmem>> -> memref<200x64xf32, #tpu.memory_space<vmem>>
    %dma_start3A_54 = arith.constant 0 : i32
    %dma_start3A_55 = tpu.memref_slice %arg5[%dma_start3A_47, %dma_start3A_54] : memref<128x200xi32, #tpu.memory_space<vmem>> -> memref<1x200xi32, #tpu.memory_space<vmem>>
    %dma_start3A_56 = tpu.memref_squeeze %dma_start3A_55 : memref<1x200xi32, #tpu.memory_space<vmem>> -> memref<200xi32, #tpu.memory_space<vmem>>
    %dma_start3A_57 = arith.constant 0 : i32
    %dma_start3A_58 = arith.constant 0 : i32
    %dma_start3A_59 = tpu.memref_slice %arg3[%dma_start3A_57, %dma_start3A_58] : memref<2000000x64xf32, #tpu.memory_space<hbm>> -> memref<2000000x64xf32, #tpu.memory_space<hbm>>
    %dma_start3A_60 = tpu.memref_slice %arg7[%dma_start3A_49] : memref<8x!tpu.dma_semaphore, #tpu.memory_space<semaphore_mem>> -> memref<1x!tpu.dma_semaphore, #tpu.memory_space<semaphore_mem>>
    %dma_start3A_61 = tpu.memref_squeeze %dma_start3A_60 : memref<1x!tpu.dma_semaphore, #tpu.memory_space<semaphore_mem>> -> memref<!tpu.dma_semaphore, #tpu.memory_space<semaphore_mem>>
    tpu.enqueue_indirect_dma source(%dma_start3A_59 : memref<2000000x64xf32, #tpu.memory_space<hbm>>) target(%dma_start3A_53 : memref<200x64xf32, #tpu.memory_space<vmem>>) offsets(%dma_start3A_56 : memref<200xi32, #tpu.memory_space<vmem>>) semaphore(%dma_start3A_61 : memref<!tpu.dma_semaphore, #tpu.memory_space<semaphore_mem>>)
    %dma_start3A_62 = arith.constant 4 : i32
    %dma_start3A_63 = arith.constant 4 : i32
    %dma_start3A_64 = arith.constant 4 : i32
    %dma_start3A_65 = arith.constant 0 : i32
    %dma_start3A_66 = arith.constant 0 : i32
    %dma_start3A_67 = tpu.memref_slice %arg6[%dma_start3A_63, %dma_start3A_65, %dma_start3A_66] : memref<8x200x64xf32, #tpu.memory_space<vmem>> -> memref<1x200x64xf32, #tpu.memory_space<vmem>>
    %dma_start3A_68 = tpu.memref_squeeze %dma_start3A_67 : memref<1x200x64xf32, #tpu.memory_space<vmem>> -> memref<200x64xf32, #tpu.memory_space<vmem>>
    %dma_start3A_69 = arith.constant 0 : i32
    %dma_start3A_70 = tpu.memref_slice %arg5[%dma_start3A_62, %dma_start3A_69] : memref<128x200xi32, #tpu.memory_space<vmem>> -> memref<1x200xi32, #tpu.memory_space<vmem>>
    %dma_start3A_71 = tpu.memref_squeeze %dma_start3A_70 : memref<1x200xi32, #tpu.memory_space<vmem>> -> memref<200xi32, #tpu.memory_space<vmem>>
    %dma_start3A_72 = arith.constant 0 : i32
    %dma_start3A_73 = arith.constant 0 : i32
    %dma_start3A_74 = tpu.memref_slice %arg3[%dma_start3A_72, %dma_start3A_73] : memref<2000000x64xf32, #tpu.memory_space<hbm>> -> memref<2000000x64xf32, #tpu.memory_space<hbm>>
    %dma_start3A_75 = tpu.memref_slice %arg7[%dma_start3A_64] : memref<8x!tpu.dma_semaphore, #tpu.memory_space<semaphore_mem>> -> memref<1x!tpu.dma_semaphore, #tpu.memory_space<semaphore_mem>>
    %dma_start3A_76 = tpu.memref_squeeze %dma_start3A_75 : memref<1x!tpu.dma_semaphore, #tpu.memory_space<semaphore_mem>> -> memref<!tpu.dma_semaphore, #tpu.memory_space<semaphore_mem>>
    tpu.enqueue_indirect_dma source(%dma_start3A_74 : memref<2000000x64xf32, #tpu.memory_space<hbm>>) target(%dma_start3A_68 : memref<200x64xf32, #tpu.memory_space<vmem>>) offsets(%dma_start3A_71 : memref<200xi32, #tpu.memory_space<vmem>>) semaphore(%dma_start3A_76 : memref<!tpu.dma_semaphore, #tpu.memory_space<semaphore_mem>>)
    %scan3A = arith.constant 0 : i32
    %scan3A_77 = arith.constant 0 : i32
    %scan3A_78 = arith.constant 16 : i32
    %scan3A_79 = arith.addi %scan3A_77, %scan3A_78 : i32
    %scan3A_80 = arith.constant 1 : i32
    scf.for %scan3A_241 = %scan3A_77 to %scan3A_79 step %scan3A_80  : i32 {
      %mul3A_242 = arith.constant 8 : i32
      %mul3A_243 = arith.muli %scan3A_241, %mul3A_242 : i32
      %add3A_244 = arith.constant 0 : i32
      %add3A_245 = arith.addi %mul3A_243, %add3A_244 : i32
      %dma_wait3A_246 = arith.constant 0 : i32
      %dma_wait3A_247 = arith.constant 0 : i32
      %dma_wait3A_248 = arith.constant 0 : i32
      %dma_wait3A_249 = arith.constant 0 : i32
      %dma_wait3A_250 = tpu.memref_slice %arg6[%dma_wait3A_246, %dma_wait3A_248, %dma_wait3A_249] : memref<8x200x64xf32, #tpu.memory_space<vmem>> -> memref<1x200x64xf32, #tpu.memory_space<vmem>>
      %dma_wait3A_251 = tpu.memref_squeeze %dma_wait3A_250 : memref<1x200x64xf32, #tpu.memory_space<vmem>> -> memref<200x64xf32, #tpu.memory_space<vmem>>
      %dma_wait3A_252 = arith.constant 0 : i32
      %dma_wait3A_253 = tpu.memref_slice %arg5[%add3A_245, %dma_wait3A_252] : memref<128x200xi32, #tpu.memory_space<vmem>> -> memref<1x200xi32, #tpu.memory_space<vmem>>
      %dma_wait3A_254 = tpu.memref_squeeze %dma_wait3A_253 : memref<1x200xi32, #tpu.memory_space<vmem>> -> memref<200xi32, #tpu.memory_space<vmem>>
      %dma_wait3A_255 = arith.constant 0 : i32
      %dma_wait3A_256 = arith.constant 0 : i32
      %dma_wait3A_257 = tpu.memref_slice %arg3[%dma_wait3A_255, %dma_wait3A_256] : memref<2000000x64xf32, #tpu.memory_space<hbm>> -> memref<2000000x64xf32, #tpu.memory_space<hbm>>
      %dma_wait3A_258 = tpu.memref_slice %arg7[%dma_wait3A_247] : memref<8x!tpu.dma_semaphore, #tpu.memory_space<semaphore_mem>> -> memref<1x!tpu.dma_semaphore, #tpu.memory_space<semaphore_mem>>
      %dma_wait3A_259 = tpu.memref_squeeze %dma_wait3A_258 : memref<1x!tpu.dma_semaphore, #tpu.memory_space<semaphore_mem>> -> memref<!tpu.dma_semaphore, #tpu.memory_space<semaphore_mem>>
      tpu.wait_indirect_dma semaphore(%dma_wait3A_259 : memref<!tpu.dma_semaphore, #tpu.memory_space<semaphore_mem>>) src(%dma_wait3A_257 : memref<2000000x64xf32, #tpu.memory_space<hbm>>) dst(%dma_wait3A_251 : memref<200x64xf32, #tpu.memory_space<vmem>>)
      %add3A_260 = arith.addi %mul3A_2, %add3A_245 : i32
      %mul3A_261 = arith.constant 200 : i32
      %mul3A_262 = arith.muli %add3A_260, %mul3A_261 : i32
      %dma_start3A_263 = arith.constant 0 : i32
      %dma_start3A_264 = arith.constant 0 : i32
      %dma_start3A_265 = arith.constant 0 : i32
      %dma_start3A_266 = arith.constant 0 : i32
      %dma_start3A_267 = tpu.memref_slice %arg6[%dma_start3A_263, %dma_start3A_265, %dma_start3A_266] : memref<8x200x64xf32, #tpu.memory_space<vmem>> -> memref<1x200x64xf32, #tpu.memory_space<vmem>>
      %dma_start3A_268 = tpu.memref_squeeze %dma_start3A_267 : memref<1x200x64xf32, #tpu.memory_space<vmem>> -> memref<200x64xf32, #tpu.memory_space<vmem>>
      %dma_start3A_269 = arith.constant 0 : i32
      %dma_start3A_270 = tpu.memref_slice %arg4[%mul3A_262, %dma_start3A_269] : memref<819200x128xf32, #tpu.memory_space<hbm>> -> memref<200x64xf32, #tpu.memory_space<hbm>>
      %dma_start3A_271 = tpu.memref_slice %arg8[%dma_start3A_264] : memref<8x!tpu.dma_semaphore, #tpu.memory_space<semaphore_mem>> -> memref<1x!tpu.dma_semaphore, #tpu.memory_space<semaphore_mem>>
      %dma_start3A_272 = tpu.memref_squeeze %dma_start3A_271 : memref<1x!tpu.dma_semaphore, #tpu.memory_space<semaphore_mem>> -> memref<!tpu.dma_semaphore, #tpu.memory_space<semaphore_mem>>
      %dma_start3A_273 = arith.constant 0 : i32
      %dma_start3A_274 = tpu.memref_slice %arg4[%mul3A_262, %dma_start3A_273] : memref<819200x128xf32, #tpu.memory_space<hbm>> -> memref<200x64xf32, #tpu.memory_space<hbm>>
      %dma_start3A_275 = arith.constant 0 : i32
      %dma_start3A_276 = arith.constant 0 : i32
      %dma_start3A_277 = tpu.memref_slice %arg6[%dma_start3A_263, %dma_start3A_275, %dma_start3A_276] : memref<8x200x64xf32, #tpu.memory_space<vmem>> -> memref<1x200x64xf32, #tpu.memory_space<vmem>>
      %dma_start3A_278 = tpu.memref_squeeze %dma_start3A_277 : memref<1x200x64xf32, #tpu.memory_space<vmem>> -> memref<200x64xf32, #tpu.memory_space<vmem>>
      tpu.enqueue_dma source(%dma_start3A_278 : memref<200x64xf32, #tpu.memory_space<vmem>>) target(%dma_start3A_274 : memref<200x64xf32, #tpu.memory_space<hbm>>) target_semaphore(%dma_start3A_272 : memref<!tpu.dma_semaphore, #tpu.memory_space<semaphore_mem>>)
      %add3A_279 = arith.constant 5 : i32
      %add3A_280 = arith.addi %add3A_245, %add3A_279 : i32
      %lt3A = arith.constant 128 : i32
      %lt3A_281 = arith.cmpi slt, %add3A_280, %lt3A : i32
      %convert_element_type3A = arith.extui %lt3A_281 : i1 to i32
      %cond3A = arith.constant 0 : i32
      %cond3A_282 = arith.cmpi ne, %convert_element_type3A, %cond3A : i32
      scf.if %cond3A_282 {
        %ge3A = arith.constant 8 : i32
        %ge3A_591 = arith.cmpi sge, %add3A_280, %ge3A : i32
        %convert_element_type3A_592 = arith.extui %ge3A_591 : i1 to i32
        %cond3A_593 = arith.constant 0 : i32
        %cond3A_594 = arith.cmpi ne, %convert_element_type3A_592, %cond3A_593 : i32
        scf.if %cond3A_594 {
          %sub3A = arith.constant 8 : i32
          %sub3A_609 = arith.subi %add3A_280, %sub3A : i32
          %add3A_610 = arith.addi %mul3A_2, %sub3A_609 : i32
          %mul3A_611 = arith.constant 200 : i32
          %mul3A_612 = arith.muli %add3A_610, %mul3A_611 : i32
          %dma_wait3A_613 = arith.constant 5 : i32
          %dma_wait3A_614 = arith.constant 5 : i32
          %dma_wait3A_615 = arith.constant 0 : i32
          %dma_wait3A_616 = arith.constant 0 : i32
          %dma_wait3A_617 = tpu.memref_slice %arg6[%dma_wait3A_613, %dma_wait3A_615, %dma_wait3A_616] : memref<8x200x64xf32, #tpu.memory_space<vmem>> -> memref<1x200x64xf32, #tpu.memory_space<vmem>>
          %dma_wait3A_618 = tpu.memref_squeeze %dma_wait3A_617 : memref<1x200x64xf32, #tpu.memory_space<vmem>> -> memref<200x64xf32, #tpu.memory_space<vmem>>
          %dma_wait3A_619 = arith.constant 0 : i32
          %dma_wait3A_620 = tpu.memref_slice %arg4[%mul3A_612, %dma_wait3A_619] : memref<819200x128xf32, #tpu.memory_space<hbm>> -> memref<200x64xf32, #tpu.memory_space<hbm>>
          %dma_wait3A_621 = tpu.memref_slice %arg8[%dma_wait3A_614] : memref<8x!tpu.dma_semaphore, #tpu.memory_space<semaphore_mem>> -> memref<1x!tpu.dma_semaphore, #tpu.memory_space<semaphore_mem>>
          %dma_wait3A_622 = tpu.memref_squeeze %dma_wait3A_621 : memref<1x!tpu.dma_semaphore, #tpu.memory_space<semaphore_mem>> -> memref<!tpu.dma_semaphore, #tpu.memory_space<semaphore_mem>>
          %dma_wait3A_623 = arith.constant 0 : i32
          %dma_wait3A_624 = tpu.memref_slice %arg4[%mul3A_612, %dma_wait3A_623] : memref<819200x128xf32, #tpu.memory_space<hbm>> -> memref<200x64xf32, #tpu.memory_space<hbm>>
          %dma_wait3A_625 = arith.constant 0 : i32
          %dma_wait3A_626 = arith.constant 0 : i32
          %dma_wait3A_627 = tpu.memref_slice %arg6[%dma_wait3A_613, %dma_wait3A_625, %dma_wait3A_626] : memref<8x200x64xf32, #tpu.memory_space<vmem>> -> memref<1x200x64xf32, #tpu.memory_space<vmem>>
          %dma_wait3A_628 = tpu.memref_squeeze %dma_wait3A_627 : memref<1x200x64xf32, #tpu.memory_space<vmem>> -> memref<200x64xf32, #tpu.memory_space<vmem>>
          tpu.wait_dma2 semaphore(%dma_wait3A_622 : memref<!tpu.dma_semaphore, #tpu.memory_space<semaphore_mem>>) src(%dma_wait3A_628 : memref<200x64xf32, #tpu.memory_space<vmem>>) dst(%dma_wait3A_624 : memref<200x64xf32, #tpu.memory_space<hbm>>)
        } else {
        }
        %dma_start3A_595 = arith.constant 5 : i32
        %dma_start3A_596 = arith.constant 5 : i32
        %dma_start3A_597 = arith.constant 0 : i32
        %dma_start3A_598 = arith.constant 0 : i32
        %dma_start3A_599 = tpu.memref_slice %arg6[%dma_start3A_595, %dma_start3A_597, %dma_start3A_598] : memref<8x200x64xf32, #tpu.memory_space<vmem>> -> memref<1x200x64xf32, #tpu.memory_space<vmem>>
        %dma_start3A_600 = tpu.memref_squeeze %dma_start3A_599 : memref<1x200x64xf32, #tpu.memory_space<vmem>> -> memref<200x64xf32, #tpu.memory_space<vmem>>
        %dma_start3A_601 = arith.constant 0 : i32
        %dma_start3A_602 = tpu.memref_slice %arg5[%add3A_280, %dma_start3A_601] : memref<128x200xi32, #tpu.memory_space<vmem>> -> memref<1x200xi32, #tpu.memory_space<vmem>>
        %dma_start3A_603 = tpu.memref_squeeze %dma_start3A_602 : memref<1x200xi32, #tpu.memory_space<vmem>> -> memref<200xi32, #tpu.memory_space<vmem>>
        %dma_start3A_604 = arith.constant 0 : i32
        %dma_start3A_605 = arith.constant 0 : i32
        %dma_start3A_606 = tpu.memref_slice %arg3[%dma_start3A_604, %dma_start3A_605] : memref<2000000x64xf32, #tpu.memory_space<hbm>> -> memref<2000000x64xf32, #tpu.memory_space<hbm>>
        %dma_start3A_607 = tpu.memref_slice %arg7[%dma_start3A_596] : memref<8x!tpu.dma_semaphore, #tpu.memory_space<semaphore_mem>> -> memref<1x!tpu.dma_semaphore, #tpu.memory_space<semaphore_mem>>
        %dma_start3A_608 = tpu.memref_squeeze %dma_start3A_607 : memref<1x!tpu.dma_semaphore, #tpu.memory_space<semaphore_mem>> -> memref<!tpu.dma_semaphore, #tpu.memory_space<semaphore_mem>>
        tpu.enqueue_indirect_dma source(%dma_start3A_606 : memref<2000000x64xf32, #tpu.memory_space<hbm>>) target(%dma_start3A_600 : memref<200x64xf32, #tpu.memory_space<vmem>>) offsets(%dma_start3A_603 : memref<200xi32, #tpu.memory_space<vmem>>) semaphore(%dma_start3A_608 : memref<!tpu.dma_semaphore, #tpu.memory_space<semaphore_mem>>)
      } else {
      }
      %mul3A_283 = arith.constant 8 : i32
      %mul3A_284 = arith.muli %scan3A_241, %mul3A_283 : i32
      %add3A_285 = arith.constant 1 : i32
      %add3A_286 = arith.addi %mul3A_284, %add3A_285 : i32
      %dma_wait3A_287 = arith.constant 1 : i32
      %dma_wait3A_288 = arith.constant 1 : i32
      %dma_wait3A_289 = arith.constant 0 : i32
      %dma_wait3A_290 = arith.constant 0 : i32
      %dma_wait3A_291 = tpu.memref_slice %arg6[%dma_wait3A_287, %dma_wait3A_289, %dma_wait3A_290] : memref<8x200x64xf32, #tpu.memory_space<vmem>> -> memref<1x200x64xf32, #tpu.memory_space<vmem>>
      %dma_wait3A_292 = tpu.memref_squeeze %dma_wait3A_291 : memref<1x200x64xf32, #tpu.memory_space<vmem>> -> memref<200x64xf32, #tpu.memory_space<vmem>>
      %dma_wait3A_293 = arith.constant 0 : i32
      %dma_wait3A_294 = tpu.memref_slice %arg5[%add3A_286, %dma_wait3A_293] : memref<128x200xi32, #tpu.memory_space<vmem>> -> memref<1x200xi32, #tpu.memory_space<vmem>>
      %dma_wait3A_295 = tpu.memref_squeeze %dma_wait3A_294 : memref<1x200xi32, #tpu.memory_space<vmem>> -> memref<200xi32, #tpu.memory_space<vmem>>
      %dma_wait3A_296 = arith.constant 0 : i32
      %dma_wait3A_297 = arith.constant 0 : i32
      %dma_wait3A_298 = tpu.memref_slice %arg3[%dma_wait3A_296, %dma_wait3A_297] : memref<2000000x64xf32, #tpu.memory_space<hbm>> -> memref<2000000x64xf32, #tpu.memory_space<hbm>>
      %dma_wait3A_299 = tpu.memref_slice %arg7[%dma_wait3A_288] : memref<8x!tpu.dma_semaphore, #tpu.memory_space<semaphore_mem>> -> memref<1x!tpu.dma_semaphore, #tpu.memory_space<semaphore_mem>>
      %dma_wait3A_300 = tpu.memref_squeeze %dma_wait3A_299 : memref<1x!tpu.dma_semaphore, #tpu.memory_space<semaphore_mem>> -> memref<!tpu.dma_semaphore, #tpu.memory_space<semaphore_mem>>
      tpu.wait_indirect_dma semaphore(%dma_wait3A_300 : memref<!tpu.dma_semaphore, #tpu.memory_space<semaphore_mem>>) src(%dma_wait3A_298 : memref<2000000x64xf32, #tpu.memory_space<hbm>>) dst(%dma_wait3A_292 : memref<200x64xf32, #tpu.memory_space<vmem>>)
      %add3A_301 = arith.addi %mul3A_2, %add3A_286 : i32
      %mul3A_302 = arith.constant 200 : i32
      %mul3A_303 = arith.muli %add3A_301, %mul3A_302 : i32
      %dma_start3A_304 = arith.constant 1 : i32
      %dma_start3A_305 = arith.constant 1 : i32
      %dma_start3A_306 = arith.constant 0 : i32
      %dma_start3A_307 = arith.constant 0 : i32
      %dma_start3A_308 = tpu.memref_slice %arg6[%dma_start3A_304, %dma_start3A_306, %dma_start3A_307] : memref<8x200x64xf32, #tpu.memory_space<vmem>> -> memref<1x200x64xf32, #tpu.memory_space<vmem>>
      %dma_start3A_309 = tpu.memref_squeeze %dma_start3A_308 : memref<1x200x64xf32, #tpu.memory_space<vmem>> -> memref<200x64xf32, #tpu.memory_space<vmem>>
      %dma_start3A_310 = arith.constant 0 : i32
      %dma_start3A_311 = tpu.memref_slice %arg4[%mul3A_303, %dma_start3A_310] : memref<819200x128xf32, #tpu.memory_space<hbm>> -> memref<200x64xf32, #tpu.memory_space<hbm>>
      %dma_start3A_312 = tpu.memref_slice %arg8[%dma_start3A_305] : memref<8x!tpu.dma_semaphore, #tpu.memory_space<semaphore_mem>> -> memref<1x!tpu.dma_semaphore, #tpu.memory_space<semaphore_mem>>
      %dma_start3A_313 = tpu.memref_squeeze %dma_start3A_312 : memref<1x!tpu.dma_semaphore, #tpu.memory_space<semaphore_mem>> -> memref<!tpu.dma_semaphore, #tpu.memory_space<semaphore_mem>>
      %dma_start3A_314 = arith.constant 0 : i32
      %dma_start3A_315 = tpu.memref_slice %arg4[%mul3A_303, %dma_start3A_314] : memref<819200x128xf32, #tpu.memory_space<hbm>> -> memref<200x64xf32, #tpu.memory_space<hbm>>
      %dma_start3A_316 = arith.constant 0 : i32
      %dma_start3A_317 = arith.constant 0 : i32
      %dma_start3A_318 = tpu.memref_slice %arg6[%dma_start3A_304, %dma_start3A_316, %dma_start3A_317] : memref<8x200x64xf32, #tpu.memory_space<vmem>> -> memref<1x200x64xf32, #tpu.memory_space<vmem>>
      %dma_start3A_319 = tpu.memref_squeeze %dma_start3A_318 : memref<1x200x64xf32, #tpu.memory_space<vmem>> -> memref<200x64xf32, #tpu.memory_space<vmem>>
      tpu.enqueue_dma source(%dma_start3A_319 : memref<200x64xf32, #tpu.memory_space<vmem>>) target(%dma_start3A_315 : memref<200x64xf32, #tpu.memory_space<hbm>>) target_semaphore(%dma_start3A_313 : memref<!tpu.dma_semaphore, #tpu.memory_space<semaphore_mem>>)
      %add3A_320 = arith.constant 5 : i32
      %add3A_321 = arith.addi %add3A_286, %add3A_320 : i32
      %lt3A_322 = arith.constant 128 : i32
      %lt3A_323 = arith.cmpi slt, %add3A_321, %lt3A_322 : i32
      %convert_element_type3A_324 = arith.extui %lt3A_323 : i1 to i32
      %cond3A_325 = arith.constant 0 : i32
      %cond3A_326 = arith.cmpi ne, %convert_element_type3A_324, %cond3A_325 : i32
      scf.if %cond3A_326 {
        %ge3A = arith.constant 8 : i32
        %ge3A_591 = arith.cmpi sge, %add3A_321, %ge3A : i32
        %convert_element_type3A_592 = arith.extui %ge3A_591 : i1 to i32
        %cond3A_593 = arith.constant 0 : i32
        %cond3A_594 = arith.cmpi ne, %convert_element_type3A_592, %cond3A_593 : i32
        scf.if %cond3A_594 {
          %sub3A = arith.constant 8 : i32
          %sub3A_609 = arith.subi %add3A_321, %sub3A : i32
          %add3A_610 = arith.addi %mul3A_2, %sub3A_609 : i32
          %mul3A_611 = arith.constant 200 : i32
          %mul3A_612 = arith.muli %add3A_610, %mul3A_611 : i32
          %dma_wait3A_613 = arith.constant 6 : i32
          %dma_wait3A_614 = arith.constant 6 : i32
          %dma_wait3A_615 = arith.constant 0 : i32
          %dma_wait3A_616 = arith.constant 0 : i32
          %dma_wait3A_617 = tpu.memref_slice %arg6[%dma_wait3A_613, %dma_wait3A_615, %dma_wait3A_616] : memref<8x200x64xf32, #tpu.memory_space<vmem>> -> memref<1x200x64xf32, #tpu.memory_space<vmem>>
          %dma_wait3A_618 = tpu.memref_squeeze %dma_wait3A_617 : memref<1x200x64xf32, #tpu.memory_space<vmem>> -> memref<200x64xf32, #tpu.memory_space<vmem>>
          %dma_wait3A_619 = arith.constant 0 : i32
          %dma_wait3A_620 = tpu.memref_slice %arg4[%mul3A_612, %dma_wait3A_619] : memref<819200x128xf32, #tpu.memory_space<hbm>> -> memref<200x64xf32, #tpu.memory_space<hbm>>
          %dma_wait3A_621 = tpu.memref_slice %arg8[%dma_wait3A_614] : memref<8x!tpu.dma_semaphore, #tpu.memory_space<semaphore_mem>> -> memref<1x!tpu.dma_semaphore, #tpu.memory_space<semaphore_mem>>
          %dma_wait3A_622 = tpu.memref_squeeze %dma_wait3A_621 : memref<1x!tpu.dma_semaphore, #tpu.memory_space<semaphore_mem>> -> memref<!tpu.dma_semaphore, #tpu.memory_space<semaphore_mem>>
          %dma_wait3A_623 = arith.constant 0 : i32
          %dma_wait3A_624 = tpu.memref_slice %arg4[%mul3A_612, %dma_wait3A_623] : memref<819200x128xf32, #tpu.memory_space<hbm>> -> memref<200x64xf32, #tpu.memory_space<hbm>>
          %dma_wait3A_625 = arith.constant 0 : i32
          %dma_wait3A_626 = arith.constant 0 : i32
          %dma_wait3A_627 = tpu.memref_slice %arg6[%dma_wait3A_613, %dma_wait3A_625, %dma_wait3A_626] : memref<8x200x64xf32, #tpu.memory_space<vmem>> -> memref<1x200x64xf32, #tpu.memory_space<vmem>>
          %dma_wait3A_628 = tpu.memref_squeeze %dma_wait3A_627 : memref<1x200x64xf32, #tpu.memory_space<vmem>> -> memref<200x64xf32, #tpu.memory_space<vmem>>
          tpu.wait_dma2 semaphore(%dma_wait3A_622 : memref<!tpu.dma_semaphore, #tpu.memory_space<semaphore_mem>>) src(%dma_wait3A_628 : memref<200x64xf32, #tpu.memory_space<vmem>>) dst(%dma_wait3A_624 : memref<200x64xf32, #tpu.memory_space<hbm>>)
        } else {
        }
        %dma_start3A_595 = arith.constant 6 : i32
        %dma_start3A_596 = arith.constant 6 : i32
        %dma_start3A_597 = arith.constant 0 : i32
        %dma_start3A_598 = arith.constant 0 : i32
        %dma_start3A_599 = tpu.memref_slice %arg6[%dma_start3A_595, %dma_start3A_597, %dma_start3A_598] : memref<8x200x64xf32, #tpu.memory_space<vmem>> -> memref<1x200x64xf32, #tpu.memory_space<vmem>>
        %dma_start3A_600 = tpu.memref_squeeze %dma_start3A_599 : memref<1x200x64xf32, #tpu.memory_space<vmem>> -> memref<200x64xf32, #tpu.memory_space<vmem>>
        %dma_start3A_601 = arith.constant 0 : i32
        %dma_start3A_602 = tpu.memref_slice %arg5[%add3A_321, %dma_start3A_601] : memref<128x200xi32, #tpu.memory_space<vmem>> -> memref<1x200xi32, #tpu.memory_space<vmem>>
        %dma_start3A_603 = tpu.memref_squeeze %dma_start3A_602 : memref<1x200xi32, #tpu.memory_space<vmem>> -> memref<200xi32, #tpu.memory_space<vmem>>
        %dma_start3A_604 = arith.constant 0 : i32
        %dma_start3A_605 = arith.constant 0 : i32
        %dma_start3A_606 = tpu.memref_slice %arg3[%dma_start3A_604, %dma_start3A_605] : memref<2000000x64xf32, #tpu.memory_space<hbm>> -> memref<2000000x64xf32, #tpu.memory_space<hbm>>
        %dma_start3A_607 = tpu.memref_slice %arg7[%dma_start3A_596] : memref<8x!tpu.dma_semaphore, #tpu.memory_space<semaphore_mem>> -> memref<1x!tpu.dma_semaphore, #tpu.memory_space<semaphore_mem>>
        %dma_start3A_608 = tpu.memref_squeeze %dma_start3A_607 : memref<1x!tpu.dma_semaphore, #tpu.memory_space<semaphore_mem>> -> memref<!tpu.dma_semaphore, #tpu.memory_space<semaphore_mem>>
        tpu.enqueue_indirect_dma source(%dma_start3A_606 : memref<2000000x64xf32, #tpu.memory_space<hbm>>) target(%dma_start3A_600 : memref<200x64xf32, #tpu.memory_space<vmem>>) offsets(%dma_start3A_603 : memref<200xi32, #tpu.memory_space<vmem>>) semaphore(%dma_start3A_608 : memref<!tpu.dma_semaphore, #tpu.memory_space<semaphore_mem>>)
      } else {
      }
      %mul3A_327 = arith.constant 8 : i32
      %mul3A_328 = arith.muli %scan3A_241, %mul3A_327 : i32
      %add3A_329 = arith.constant 2 : i32
      %add3A_330 = arith.addi %mul3A_328, %add3A_329 : i32
      %dma_wait3A_331 = arith.constant 2 : i32
      %dma_wait3A_332 = arith.constant 2 : i32
      %dma_wait3A_333 = arith.constant 0 : i32
      %dma_wait3A_334 = arith.constant 0 : i32
      %dma_wait3A_335 = tpu.memref_slice %arg6[%dma_wait3A_331, %dma_wait3A_333, %dma_wait3A_334] : memref<8x200x64xf32, #tpu.memory_space<vmem>> -> memref<1x200x64xf32, #tpu.memory_space<vmem>>
      %dma_wait3A_336 = tpu.memref_squeeze %dma_wait3A_335 : memref<1x200x64xf32, #tpu.memory_space<vmem>> -> memref<200x64xf32, #tpu.memory_space<vmem>>
      %dma_wait3A_337 = arith.constant 0 : i32
      %dma_wait3A_338 = tpu.memref_slice %arg5[%add3A_330, %dma_wait3A_337] : memref<128x200xi32, #tpu.memory_space<vmem>> -> memref<1x200xi32, #tpu.memory_space<vmem>>
      %dma_wait3A_339 = tpu.memref_squeeze %dma_wait3A_338 : memref<1x200xi32, #tpu.memory_space<vmem>> -> memref<200xi32, #tpu.memory_space<vmem>>
      %dma_wait3A_340 = arith.constant 0 : i32
      %dma_wait3A_341 = arith.constant 0 : i32
      %dma_wait3A_342 = tpu.memref_slice %arg3[%dma_wait3A_340, %dma_wait3A_341] : memref<2000000x64xf32, #tpu.memory_space<hbm>> -> memref<2000000x64xf32, #tpu.memory_space<hbm>>
      %dma_wait3A_343 = tpu.memref_slice %arg7[%dma_wait3A_332] : memref<8x!tpu.dma_semaphore, #tpu.memory_space<semaphore_mem>> -> memref<1x!tpu.dma_semaphore, #tpu.memory_space<semaphore_mem>>
      %dma_wait3A_344 = tpu.memref_squeeze %dma_wait3A_343 : memref<1x!tpu.dma_semaphore, #tpu.memory_space<semaphore_mem>> -> memref<!tpu.dma_semaphore, #tpu.memory_space<semaphore_mem>>
      tpu.wait_indirect_dma semaphore(%dma_wait3A_344 : memref<!tpu.dma_semaphore, #tpu.memory_space<semaphore_mem>>) src(%dma_wait3A_342 : memref<2000000x64xf32, #tpu.memory_space<hbm>>) dst(%dma_wait3A_336 : memref<200x64xf32, #tpu.memory_space<vmem>>)
      %add3A_345 = arith.addi %mul3A_2, %add3A_330 : i32
      %mul3A_346 = arith.constant 200 : i32
      %mul3A_347 = arith.muli %add3A_345, %mul3A_346 : i32
      %dma_start3A_348 = arith.constant 2 : i32
      %dma_start3A_349 = arith.constant 2 : i32
      %dma_start3A_350 = arith.constant 0 : i32
      %dma_start3A_351 = arith.constant 0 : i32
      %dma_start3A_352 = tpu.memref_slice %arg6[%dma_start3A_348, %dma_start3A_350, %dma_start3A_351] : memref<8x200x64xf32, #tpu.memory_space<vmem>> -> memref<1x200x64xf32, #tpu.memory_space<vmem>>
      %dma_start3A_353 = tpu.memref_squeeze %dma_start3A_352 : memref<1x200x64xf32, #tpu.memory_space<vmem>> -> memref<200x64xf32, #tpu.memory_space<vmem>>
      %dma_start3A_354 = arith.constant 0 : i32
      %dma_start3A_355 = tpu.memref_slice %arg4[%mul3A_347, %dma_start3A_354] : memref<819200x128xf32, #tpu.memory_space<hbm>> -> memref<200x64xf32, #tpu.memory_space<hbm>>
      %dma_start3A_356 = tpu.memref_slice %arg8[%dma_start3A_349] : memref<8x!tpu.dma_semaphore, #tpu.memory_space<semaphore_mem>> -> memref<1x!tpu.dma_semaphore, #tpu.memory_space<semaphore_mem>>
      %dma_start3A_357 = tpu.memref_squeeze %dma_start3A_356 : memref<1x!tpu.dma_semaphore, #tpu.memory_space<semaphore_mem>> -> memref<!tpu.dma_semaphore, #tpu.memory_space<semaphore_mem>>
      %dma_start3A_358 = arith.constant 0 : i32
      %dma_start3A_359 = tpu.memref_slice %arg4[%mul3A_347, %dma_start3A_358] : memref<819200x128xf32, #tpu.memory_space<hbm>> -> memref<200x64xf32, #tpu.memory_space<hbm>>
      %dma_start3A_360 = arith.constant 0 : i32
      %dma_start3A_361 = arith.constant 0 : i32
      %dma_start3A_362 = tpu.memref_slice %arg6[%dma_start3A_348, %dma_start3A_360, %dma_start3A_361] : memref<8x200x64xf32, #tpu.memory_space<vmem>> -> memref<1x200x64xf32, #tpu.memory_space<vmem>>
      %dma_start3A_363 = tpu.memref_squeeze %dma_start3A_362 : memref<1x200x64xf32, #tpu.memory_space<vmem>> -> memref<200x64xf32, #tpu.memory_space<vmem>>
      tpu.enqueue_dma source(%dma_start3A_363 : memref<200x64xf32, #tpu.memory_space<vmem>>) target(%dma_start3A_359 : memref<200x64xf32, #tpu.memory_space<hbm>>) target_semaphore(%dma_start3A_357 : memref<!tpu.dma_semaphore, #tpu.memory_space<semaphore_mem>>)
      %add3A_364 = arith.constant 5 : i32
      %add3A_365 = arith.addi %add3A_330, %add3A_364 : i32
      %lt3A_366 = arith.constant 128 : i32
      %lt3A_367 = arith.cmpi slt, %add3A_365, %lt3A_366 : i32
      %convert_element_type3A_368 = arith.extui %lt3A_367 : i1 to i32
      %cond3A_369 = arith.constant 0 : i32
      %cond3A_370 = arith.cmpi ne, %convert_element_type3A_368, %cond3A_369 : i32
      scf.if %cond3A_370 {
        %ge3A = arith.constant 8 : i32
        %ge3A_591 = arith.cmpi sge, %add3A_365, %ge3A : i32
        %convert_element_type3A_592 = arith.extui %ge3A_591 : i1 to i32
        %cond3A_593 = arith.constant 0 : i32
        %cond3A_594 = arith.cmpi ne, %convert_element_type3A_592, %cond3A_593 : i32
        scf.if %cond3A_594 {
          %sub3A = arith.constant 8 : i32
          %sub3A_609 = arith.subi %add3A_365, %sub3A : i32
          %add3A_610 = arith.addi %mul3A_2, %sub3A_609 : i32
          %mul3A_611 = arith.constant 200 : i32
          %mul3A_612 = arith.muli %add3A_610, %mul3A_611 : i32
          %dma_wait3A_613 = arith.constant 7 : i32
          %dma_wait3A_614 = arith.constant 7 : i32
          %dma_wait3A_615 = arith.constant 0 : i32
          %dma_wait3A_616 = arith.constant 0 : i32
          %dma_wait3A_617 = tpu.memref_slice %arg6[%dma_wait3A_613, %dma_wait3A_615, %dma_wait3A_616] : memref<8x200x64xf32, #tpu.memory_space<vmem>> -> memref<1x200x64xf32, #tpu.memory_space<vmem>>
          %dma_wait3A_618 = tpu.memref_squeeze %dma_wait3A_617 : memref<1x200x64xf32, #tpu.memory_space<vmem>> -> memref<200x64xf32, #tpu.memory_space<vmem>>
          %dma_wait3A_619 = arith.constant 0 : i32
          %dma_wait3A_620 = tpu.memref_slice %arg4[%mul3A_612, %dma_wait3A_619] : memref<819200x128xf32, #tpu.memory_space<hbm>> -> memref<200x64xf32, #tpu.memory_space<hbm>>
          %dma_wait3A_621 = tpu.memref_slice %arg8[%dma_wait3A_614] : memref<8x!tpu.dma_semaphore, #tpu.memory_space<semaphore_mem>> -> memref<1x!tpu.dma_semaphore, #tpu.memory_space<semaphore_mem>>
          %dma_wait3A_622 = tpu.memref_squeeze %dma_wait3A_621 : memref<1x!tpu.dma_semaphore, #tpu.memory_space<semaphore_mem>> -> memref<!tpu.dma_semaphore, #tpu.memory_space<semaphore_mem>>
          %dma_wait3A_623 = arith.constant 0 : i32
          %dma_wait3A_624 = tpu.memref_slice %arg4[%mul3A_612, %dma_wait3A_623] : memref<819200x128xf32, #tpu.memory_space<hbm>> -> memref<200x64xf32, #tpu.memory_space<hbm>>
          %dma_wait3A_625 = arith.constant 0 : i32
          %dma_wait3A_626 = arith.constant 0 : i32
          %dma_wait3A_627 = tpu.memref_slice %arg6[%dma_wait3A_613, %dma_wait3A_625, %dma_wait3A_626] : memref<8x200x64xf32, #tpu.memory_space<vmem>> -> memref<1x200x64xf32, #tpu.memory_space<vmem>>
          %dma_wait3A_628 = tpu.memref_squeeze %dma_wait3A_627 : memref<1x200x64xf32, #tpu.memory_space<vmem>> -> memref<200x64xf32, #tpu.memory_space<vmem>>
          tpu.wait_dma2 semaphore(%dma_wait3A_622 : memref<!tpu.dma_semaphore, #tpu.memory_space<semaphore_mem>>) src(%dma_wait3A_628 : memref<200x64xf32, #tpu.memory_space<vmem>>) dst(%dma_wait3A_624 : memref<200x64xf32, #tpu.memory_space<hbm>>)
        } else {
        }
        %dma_start3A_595 = arith.constant 7 : i32
        %dma_start3A_596 = arith.constant 7 : i32
        %dma_start3A_597 = arith.constant 0 : i32
        %dma_start3A_598 = arith.constant 0 : i32
        %dma_start3A_599 = tpu.memref_slice %arg6[%dma_start3A_595, %dma_start3A_597, %dma_start3A_598] : memref<8x200x64xf32, #tpu.memory_space<vmem>> -> memref<1x200x64xf32, #tpu.memory_space<vmem>>
        %dma_start3A_600 = tpu.memref_squeeze %dma_start3A_599 : memref<1x200x64xf32, #tpu.memory_space<vmem>> -> memref<200x64xf32, #tpu.memory_space<vmem>>
        %dma_start3A_601 = arith.constant 0 : i32
        %dma_start3A_602 = tpu.memref_slice %arg5[%add3A_365, %dma_start3A_601] : memref<128x200xi32, #tpu.memory_space<vmem>> -> memref<1x200xi32, #tpu.memory_space<vmem>>
        %dma_start3A_603 = tpu.memref_squeeze %dma_start3A_602 : memref<1x200xi32, #tpu.memory_space<vmem>> -> memref<200xi32, #tpu.memory_space<vmem>>
        %dma_start3A_604 = arith.constant 0 : i32
        %dma_start3A_605 = arith.constant 0 : i32
        %dma_start3A_606 = tpu.memref_slice %arg3[%dma_start3A_604, %dma_start3A_605] : memref<2000000x64xf32, #tpu.memory_space<hbm>> -> memref<2000000x64xf32, #tpu.memory_space<hbm>>
        %dma_start3A_607 = tpu.memref_slice %arg7[%dma_start3A_596] : memref<8x!tpu.dma_semaphore, #tpu.memory_space<semaphore_mem>> -> memref<1x!tpu.dma_semaphore, #tpu.memory_space<semaphore_mem>>
        %dma_start3A_608 = tpu.memref_squeeze %dma_start3A_607 : memref<1x!tpu.dma_semaphore, #tpu.memory_space<semaphore_mem>> -> memref<!tpu.dma_semaphore, #tpu.memory_space<semaphore_mem>>
        tpu.enqueue_indirect_dma source(%dma_start3A_606 : memref<2000000x64xf32, #tpu.memory_space<hbm>>) target(%dma_start3A_600 : memref<200x64xf32, #tpu.memory_space<vmem>>) offsets(%dma_start3A_603 : memref<200xi32, #tpu.memory_space<vmem>>) semaphore(%dma_start3A_608 : memref<!tpu.dma_semaphore, #tpu.memory_space<semaphore_mem>>)
      } else {
      }
      %mul3A_371 = arith.constant 8 : i32
      %mul3A_372 = arith.muli %scan3A_241, %mul3A_371 : i32
      %add3A_373 = arith.constant 3 : i32
      %add3A_374 = arith.addi %mul3A_372, %add3A_373 : i32
      %dma_wait3A_375 = arith.constant 3 : i32
      %dma_wait3A_376 = arith.constant 3 : i32
      %dma_wait3A_377 = arith.constant 0 : i32
      %dma_wait3A_378 = arith.constant 0 : i32
      %dma_wait3A_379 = tpu.memref_slice %arg6[%dma_wait3A_375, %dma_wait3A_377, %dma_wait3A_378] : memref<8x200x64xf32, #tpu.memory_space<vmem>> -> memref<1x200x64xf32, #tpu.memory_space<vmem>>
      %dma_wait3A_380 = tpu.memref_squeeze %dma_wait3A_379 : memref<1x200x64xf32, #tpu.memory_space<vmem>> -> memref<200x64xf32, #tpu.memory_space<vmem>>
      %dma_wait3A_381 = arith.constant 0 : i32
      %dma_wait3A_382 = tpu.memref_slice %arg5[%add3A_374, %dma_wait3A_381] : memref<128x200xi32, #tpu.memory_space<vmem>> -> memref<1x200xi32, #tpu.memory_space<vmem>>
      %dma_wait3A_383 = tpu.memref_squeeze %dma_wait3A_382 : memref<1x200xi32, #tpu.memory_space<vmem>> -> memref<200xi32, #tpu.memory_space<vmem>>
      %dma_wait3A_384 = arith.constant 0 : i32
      %dma_wait3A_385 = arith.constant 0 : i32
      %dma_wait3A_386 = tpu.memref_slice %arg3[%dma_wait3A_384, %dma_wait3A_385] : memref<2000000x64xf32, #tpu.memory_space<hbm>> -> memref<2000000x64xf32, #tpu.memory_space<hbm>>
      %dma_wait3A_387 = tpu.memref_slice %arg7[%dma_wait3A_376] : memref<8x!tpu.dma_semaphore, #tpu.memory_space<semaphore_mem>> -> memref<1x!tpu.dma_semaphore, #tpu.memory_space<semaphore_mem>>
      %dma_wait3A_388 = tpu.memref_squeeze %dma_wait3A_387 : memref<1x!tpu.dma_semaphore, #tpu.memory_space<semaphore_mem>> -> memref<!tpu.dma_semaphore, #tpu.memory_space<semaphore_mem>>
      tpu.wait_indirect_dma semaphore(%dma_wait3A_388 : memref<!tpu.dma_semaphore, #tpu.memory_space<semaphore_mem>>) src(%dma_wait3A_386 : memref<2000000x64xf32, #tpu.memory_space<hbm>>) dst(%dma_wait3A_380 : memref<200x64xf32, #tpu.memory_space<vmem>>)
      %add3A_389 = arith.addi %mul3A_2, %add3A_374 : i32
      %mul3A_390 = arith.constant 200 : i32
      %mul3A_391 = arith.muli %add3A_389, %mul3A_390 : i32
      %dma_start3A_392 = arith.constant 3 : i32
      %dma_start3A_393 = arith.constant 3 : i32
      %dma_start3A_394 = arith.constant 0 : i32
      %dma_start3A_395 = arith.constant 0 : i32
      %dma_start3A_396 = tpu.memref_slice %arg6[%dma_start3A_392, %dma_start3A_394, %dma_start3A_395] : memref<8x200x64xf32, #tpu.memory_space<vmem>> -> memref<1x200x64xf32, #tpu.memory_space<vmem>>
      %dma_start3A_397 = tpu.memref_squeeze %dma_start3A_396 : memref<1x200x64xf32, #tpu.memory_space<vmem>> -> memref<200x64xf32, #tpu.memory_space<vmem>>
      %dma_start3A_398 = arith.constant 0 : i32
      %dma_start3A_399 = tpu.memref_slice %arg4[%mul3A_391, %dma_start3A_398] : memref<819200x128xf32, #tpu.memory_space<hbm>> -> memref<200x64xf32, #tpu.memory_space<hbm>>
      %dma_start3A_400 = tpu.memref_slice %arg8[%dma_start3A_393] : memref<8x!tpu.dma_semaphore, #tpu.memory_space<semaphore_mem>> -> memref<1x!tpu.dma_semaphore, #tpu.memory_space<semaphore_mem>>
      %dma_start3A_401 = tpu.memref_squeeze %dma_start3A_400 : memref<1x!tpu.dma_semaphore, #tpu.memory_space<semaphore_mem>> -> memref<!tpu.dma_semaphore, #tpu.memory_space<semaphore_mem>>
      %dma_start3A_402 = arith.constant 0 : i32
      %dma_start3A_403 = tpu.memref_slice %arg4[%mul3A_391, %dma_start3A_402] : memref<819200x128xf32, #tpu.memory_space<hbm>> -> memref<200x64xf32, #tpu.memory_space<hbm>>
      %dma_start3A_404 = arith.constant 0 : i32
      %dma_start3A_405 = arith.constant 0 : i32
      %dma_start3A_406 = tpu.memref_slice %arg6[%dma_start3A_392, %dma_start3A_404, %dma_start3A_405] : memref<8x200x64xf32, #tpu.memory_space<vmem>> -> memref<1x200x64xf32, #tpu.memory_space<vmem>>
      %dma_start3A_407 = tpu.memref_squeeze %dma_start3A_406 : memref<1x200x64xf32, #tpu.memory_space<vmem>> -> memref<200x64xf32, #tpu.memory_space<vmem>>
      tpu.enqueue_dma source(%dma_start3A_407 : memref<200x64xf32, #tpu.memory_space<vmem>>) target(%dma_start3A_403 : memref<200x64xf32, #tpu.memory_space<hbm>>) target_semaphore(%dma_start3A_401 : memref<!tpu.dma_semaphore, #tpu.memory_space<semaphore_mem>>)
      %add3A_408 = arith.constant 5 : i32
      %add3A_409 = arith.addi %add3A_374, %add3A_408 : i32
      %lt3A_410 = arith.constant 128 : i32
      %lt3A_411 = arith.cmpi slt, %add3A_409, %lt3A_410 : i32
      %convert_element_type3A_412 = arith.extui %lt3A_411 : i1 to i32
      %cond3A_413 = arith.constant 0 : i32
      %cond3A_414 = arith.cmpi ne, %convert_element_type3A_412, %cond3A_413 : i32
      scf.if %cond3A_414 {
        %ge3A = arith.constant 8 : i32
        %ge3A_591 = arith.cmpi sge, %add3A_409, %ge3A : i32
        %convert_element_type3A_592 = arith.extui %ge3A_591 : i1 to i32
        %cond3A_593 = arith.constant 0 : i32
        %cond3A_594 = arith.cmpi ne, %convert_element_type3A_592, %cond3A_593 : i32
        scf.if %cond3A_594 {
          %sub3A = arith.constant 8 : i32
          %sub3A_609 = arith.subi %add3A_409, %sub3A : i32
          %add3A_610 = arith.addi %mul3A_2, %sub3A_609 : i32
          %mul3A_611 = arith.constant 200 : i32
          %mul3A_612 = arith.muli %add3A_610, %mul3A_611 : i32
          %dma_wait3A_613 = arith.constant 0 : i32
          %dma_wait3A_614 = arith.constant 0 : i32
          %dma_wait3A_615 = arith.constant 0 : i32
          %dma_wait3A_616 = arith.constant 0 : i32
          %dma_wait3A_617 = tpu.memref_slice %arg6[%dma_wait3A_613, %dma_wait3A_615, %dma_wait3A_616] : memref<8x200x64xf32, #tpu.memory_space<vmem>> -> memref<1x200x64xf32, #tpu.memory_space<vmem>>
          %dma_wait3A_618 = tpu.memref_squeeze %dma_wait3A_617 : memref<1x200x64xf32, #tpu.memory_space<vmem>> -> memref<200x64xf32, #tpu.memory_space<vmem>>
          %dma_wait3A_619 = arith.constant 0 : i32
          %dma_wait3A_620 = tpu.memref_slice %arg4[%mul3A_612, %dma_wait3A_619] : memref<819200x128xf32, #tpu.memory_space<hbm>> -> memref<200x64xf32, #tpu.memory_space<hbm>>
          %dma_wait3A_621 = tpu.memref_slice %arg8[%dma_wait3A_614] : memref<8x!tpu.dma_semaphore, #tpu.memory_space<semaphore_mem>> -> memref<1x!tpu.dma_semaphore, #tpu.memory_space<semaphore_mem>>
          %dma_wait3A_622 = tpu.memref_squeeze %dma_wait3A_621 : memref<1x!tpu.dma_semaphore, #tpu.memory_space<semaphore_mem>> -> memref<!tpu.dma_semaphore, #tpu.memory_space<semaphore_mem>>
          %dma_wait3A_623 = arith.constant 0 : i32
          %dma_wait3A_624 = tpu.memref_slice %arg4[%mul3A_612, %dma_wait3A_623] : memref<819200x128xf32, #tpu.memory_space<hbm>> -> memref<200x64xf32, #tpu.memory_space<hbm>>
          %dma_wait3A_625 = arith.constant 0 : i32
          %dma_wait3A_626 = arith.constant 0 : i32
          %dma_wait3A_627 = tpu.memref_slice %arg6[%dma_wait3A_613, %dma_wait3A_625, %dma_wait3A_626] : memref<8x200x64xf32, #tpu.memory_space<vmem>> -> memref<1x200x64xf32, #tpu.memory_space<vmem>>
          %dma_wait3A_628 = tpu.memref_squeeze %dma_wait3A_627 : memref<1x200x64xf32, #tpu.memory_space<vmem>> -> memref<200x64xf32, #tpu.memory_space<vmem>>
          tpu.wait_dma2 semaphore(%dma_wait3A_622 : memref<!tpu.dma_semaphore, #tpu.memory_space<semaphore_mem>>) src(%dma_wait3A_628 : memref<200x64xf32, #tpu.memory_space<vmem>>) dst(%dma_wait3A_624 : memref<200x64xf32, #tpu.memory_space<hbm>>)
        } else {
        }
        %dma_start3A_595 = arith.constant 0 : i32
        %dma_start3A_596 = arith.constant 0 : i32
        %dma_start3A_597 = arith.constant 0 : i32
        %dma_start3A_598 = arith.constant 0 : i32
        %dma_start3A_599 = tpu.memref_slice %arg6[%dma_start3A_595, %dma_start3A_597, %dma_start3A_598] : memref<8x200x64xf32, #tpu.memory_space<vmem>> -> memref<1x200x64xf32, #tpu.memory_space<vmem>>
        %dma_start3A_600 = tpu.memref_squeeze %dma_start3A_599 : memref<1x200x64xf32, #tpu.memory_space<vmem>> -> memref<200x64xf32, #tpu.memory_space<vmem>>
        %dma_start3A_601 = arith.constant 0 : i32
        %dma_start3A_602 = tpu.memref_slice %arg5[%add3A_409, %dma_start3A_601] : memref<128x200xi32, #tpu.memory_space<vmem>> -> memref<1x200xi32, #tpu.memory_space<vmem>>
        %dma_start3A_603 = tpu.memref_squeeze %dma_start3A_602 : memref<1x200xi32, #tpu.memory_space<vmem>> -> memref<200xi32, #tpu.memory_space<vmem>>
        %dma_start3A_604 = arith.constant 0 : i32
        %dma_start3A_605 = arith.constant 0 : i32
        %dma_start3A_606 = tpu.memref_slice %arg3[%dma_start3A_604, %dma_start3A_605] : memref<2000000x64xf32, #tpu.memory_space<hbm>> -> memref<2000000x64xf32, #tpu.memory_space<hbm>>
        %dma_start3A_607 = tpu.memref_slice %arg7[%dma_start3A_596] : memref<8x!tpu.dma_semaphore, #tpu.memory_space<semaphore_mem>> -> memref<1x!tpu.dma_semaphore, #tpu.memory_space<semaphore_mem>>
        %dma_start3A_608 = tpu.memref_squeeze %dma_start3A_607 : memref<1x!tpu.dma_semaphore, #tpu.memory_space<semaphore_mem>> -> memref<!tpu.dma_semaphore, #tpu.memory_space<semaphore_mem>>
        tpu.enqueue_indirect_dma source(%dma_start3A_606 : memref<2000000x64xf32, #tpu.memory_space<hbm>>) target(%dma_start3A_600 : memref<200x64xf32, #tpu.memory_space<vmem>>) offsets(%dma_start3A_603 : memref<200xi32, #tpu.memory_space<vmem>>) semaphore(%dma_start3A_608 : memref<!tpu.dma_semaphore, #tpu.memory_space<semaphore_mem>>)
      } else {
      }
      %mul3A_415 = arith.constant 8 : i32
      %mul3A_416 = arith.muli %scan3A_241, %mul3A_415 : i32
      %add3A_417 = arith.constant 4 : i32
      %add3A_418 = arith.addi %mul3A_416, %add3A_417 : i32
      %dma_wait3A_419 = arith.constant 4 : i32
      %dma_wait3A_420 = arith.constant 4 : i32
      %dma_wait3A_421 = arith.constant 0 : i32
      %dma_wait3A_422 = arith.constant 0 : i32
      %dma_wait3A_423 = tpu.memref_slice %arg6[%dma_wait3A_419, %dma_wait3A_421, %dma_wait3A_422] : memref<8x200x64xf32, #tpu.memory_space<vmem>> -> memref<1x200x64xf32, #tpu.memory_space<vmem>>
      %dma_wait3A_424 = tpu.memref_squeeze %dma_wait3A_423 : memref<1x200x64xf32, #tpu.memory_space<vmem>> -> memref<200x64xf32, #tpu.memory_space<vmem>>
      %dma_wait3A_425 = arith.constant 0 : i32
      %dma_wait3A_426 = tpu.memref_slice %arg5[%add3A_418, %dma_wait3A_425] : memref<128x200xi32, #tpu.memory_space<vmem>> -> memref<1x200xi32, #tpu.memory_space<vmem>>
      %dma_wait3A_427 = tpu.memref_squeeze %dma_wait3A_426 : memref<1x200xi32, #tpu.memory_space<vmem>> -> memref<200xi32, #tpu.memory_space<vmem>>
      %dma_wait3A_428 = arith.constant 0 : i32
      %dma_wait3A_429 = arith.constant 0 : i32
      %dma_wait3A_430 = tpu.memref_slice %arg3[%dma_wait3A_428, %dma_wait3A_429] : memref<2000000x64xf32, #tpu.memory_space<hbm>> -> memref<2000000x64xf32, #tpu.memory_space<hbm>>
      %dma_wait3A_431 = tpu.memref_slice %arg7[%dma_wait3A_420] : memref<8x!tpu.dma_semaphore, #tpu.memory_space<semaphore_mem>> -> memref<1x!tpu.dma_semaphore, #tpu.memory_space<semaphore_mem>>
      %dma_wait3A_432 = tpu.memref_squeeze %dma_wait3A_431 : memref<1x!tpu.dma_semaphore, #tpu.memory_space<semaphore_mem>> -> memref<!tpu.dma_semaphore, #tpu.memory_space<semaphore_mem>>
      tpu.wait_indirect_dma semaphore(%dma_wait3A_432 : memref<!tpu.dma_semaphore, #tpu.memory_space<semaphore_mem>>) src(%dma_wait3A_430 : memref<2000000x64xf32, #tpu.memory_space<hbm>>) dst(%dma_wait3A_424 : memref<200x64xf32, #tpu.memory_space<vmem>>)
      %add3A_433 = arith.addi %mul3A_2, %add3A_418 : i32
      %mul3A_434 = arith.constant 200 : i32
      %mul3A_435 = arith.muli %add3A_433, %mul3A_434 : i32
      %dma_start3A_436 = arith.constant 4 : i32
      %dma_start3A_437 = arith.constant 4 : i32
      %dma_start3A_438 = arith.constant 0 : i32
      %dma_start3A_439 = arith.constant 0 : i32
      %dma_start3A_440 = tpu.memref_slice %arg6[%dma_start3A_436, %dma_start3A_438, %dma_start3A_439] : memref<8x200x64xf32, #tpu.memory_space<vmem>> -> memref<1x200x64xf32, #tpu.memory_space<vmem>>
      %dma_start3A_441 = tpu.memref_squeeze %dma_start3A_440 : memref<1x200x64xf32, #tpu.memory_space<vmem>> -> memref<200x64xf32, #tpu.memory_space<vmem>>
      %dma_start3A_442 = arith.constant 0 : i32
      %dma_start3A_443 = tpu.memref_slice %arg4[%mul3A_435, %dma_start3A_442] : memref<819200x128xf32, #tpu.memory_space<hbm>> -> memref<200x64xf32, #tpu.memory_space<hbm>>
      %dma_start3A_444 = tpu.memref_slice %arg8[%dma_start3A_437] : memref<8x!tpu.dma_semaphore, #tpu.memory_space<semaphore_mem>> -> memref<1x!tpu.dma_semaphore, #tpu.memory_space<semaphore_mem>>
      %dma_start3A_445 = tpu.memref_squeeze %dma_start3A_444 : memref<1x!tpu.dma_semaphore, #tpu.memory_space<semaphore_mem>> -> memref<!tpu.dma_semaphore, #tpu.memory_space<semaphore_mem>>
      %dma_start3A_446 = arith.constant 0 : i32
      %dma_start3A_447 = tpu.memref_slice %arg4[%mul3A_435, %dma_start3A_446] : memref<819200x128xf32, #tpu.memory_space<hbm>> -> memref<200x64xf32, #tpu.memory_space<hbm>>
      %dma_start3A_448 = arith.constant 0 : i32
      %dma_start3A_449 = arith.constant 0 : i32
      %dma_start3A_450 = tpu.memref_slice %arg6[%dma_start3A_436, %dma_start3A_448, %dma_start3A_449] : memref<8x200x64xf32, #tpu.memory_space<vmem>> -> memref<1x200x64xf32, #tpu.memory_space<vmem>>
      %dma_start3A_451 = tpu.memref_squeeze %dma_start3A_450 : memref<1x200x64xf32, #tpu.memory_space<vmem>> -> memref<200x64xf32, #tpu.memory_space<vmem>>
      tpu.enqueue_dma source(%dma_start3A_451 : memref<200x64xf32, #tpu.memory_space<vmem>>) target(%dma_start3A_447 : memref<200x64xf32, #tpu.memory_space<hbm>>) target_semaphore(%dma_start3A_445 : memref<!tpu.dma_semaphore, #tpu.memory_space<semaphore_mem>>)
      %add3A_452 = arith.constant 5 : i32
      %add3A_453 = arith.addi %add3A_418, %add3A_452 : i32
      %lt3A_454 = arith.constant 128 : i32
      %lt3A_455 = arith.cmpi slt, %add3A_453, %lt3A_454 : i32
      %convert_element_type3A_456 = arith.extui %lt3A_455 : i1 to i32
      %cond3A_457 = arith.constant 0 : i32
      %cond3A_458 = arith.cmpi ne, %convert_element_type3A_456, %cond3A_457 : i32
      scf.if %cond3A_458 {
        %ge3A = arith.constant 8 : i32
        %ge3A_591 = arith.cmpi sge, %add3A_453, %ge3A : i32
        %convert_element_type3A_592 = arith.extui %ge3A_591 : i1 to i32
        %cond3A_593 = arith.constant 0 : i32
        %cond3A_594 = arith.cmpi ne, %convert_element_type3A_592, %cond3A_593 : i32
        scf.if %cond3A_594 {
          %sub3A = arith.constant 8 : i32
          %sub3A_609 = arith.subi %add3A_453, %sub3A : i32
          %add3A_610 = arith.addi %mul3A_2, %sub3A_609 : i32
          %mul3A_611 = arith.constant 200 : i32
          %mul3A_612 = arith.muli %add3A_610, %mul3A_611 : i32
          %dma_wait3A_613 = arith.constant 1 : i32
          %dma_wait3A_614 = arith.constant 1 : i32
          %dma_wait3A_615 = arith.constant 0 : i32
          %dma_wait3A_616 = arith.constant 0 : i32
          %dma_wait3A_617 = tpu.memref_slice %arg6[%dma_wait3A_613, %dma_wait3A_615, %dma_wait3A_616] : memref<8x200x64xf32, #tpu.memory_space<vmem>> -> memref<1x200x64xf32, #tpu.memory_space<vmem>>
          %dma_wait3A_618 = tpu.memref_squeeze %dma_wait3A_617 : memref<1x200x64xf32, #tpu.memory_space<vmem>> -> memref<200x64xf32, #tpu.memory_space<vmem>>
          %dma_wait3A_619 = arith.constant 0 : i32
          %dma_wait3A_620 = tpu.memref_slice %arg4[%mul3A_612, %dma_wait3A_619] : memref<819200x128xf32, #tpu.memory_space<hbm>> -> memref<200x64xf32, #tpu.memory_space<hbm>>
          %dma_wait3A_621 = tpu.memref_slice %arg8[%dma_wait3A_614] : memref<8x!tpu.dma_semaphore, #tpu.memory_space<semaphore_mem>> -> memref<1x!tpu.dma_semaphore, #tpu.memory_space<semaphore_mem>>
          %dma_wait3A_622 = tpu.memref_squeeze %dma_wait3A_621 : memref<1x!tpu.dma_semaphore, #tpu.memory_space<semaphore_mem>> -> memref<!tpu.dma_semaphore, #tpu.memory_space<semaphore_mem>>
          %dma_wait3A_623 = arith.constant 0 : i32
          %dma_wait3A_624 = tpu.memref_slice %arg4[%mul3A_612, %dma_wait3A_623] : memref<819200x128xf32, #tpu.memory_space<hbm>> -> memref<200x64xf32, #tpu.memory_space<hbm>>
          %dma_wait3A_625 = arith.constant 0 : i32
          %dma_wait3A_626 = arith.constant 0 : i32
          %dma_wait3A_627 = tpu.memref_slice %arg6[%dma_wait3A_613, %dma_wait3A_625, %dma_wait3A_626] : memref<8x200x64xf32, #tpu.memory_space<vmem>> -> memref<1x200x64xf32, #tpu.memory_space<vmem>>
          %dma_wait3A_628 = tpu.memref_squeeze %dma_wait3A_627 : memref<1x200x64xf32, #tpu.memory_space<vmem>> -> memref<200x64xf32, #tpu.memory_space<vmem>>
          tpu.wait_dma2 semaphore(%dma_wait3A_622 : memref<!tpu.dma_semaphore, #tpu.memory_space<semaphore_mem>>) src(%dma_wait3A_628 : memref<200x64xf32, #tpu.memory_space<vmem>>) dst(%dma_wait3A_624 : memref<200x64xf32, #tpu.memory_space<hbm>>)
        } else {
        }
        %dma_start3A_595 = arith.constant 1 : i32
        %dma_start3A_596 = arith.constant 1 : i32
        %dma_start3A_597 = arith.constant 0 : i32
        %dma_start3A_598 = arith.constant 0 : i32
        %dma_start3A_599 = tpu.memref_slice %arg6[%dma_start3A_595, %dma_start3A_597, %dma_start3A_598] : memref<8x200x64xf32, #tpu.memory_space<vmem>> -> memref<1x200x64xf32, #tpu.memory_space<vmem>>
        %dma_start3A_600 = tpu.memref_squeeze %dma_start3A_599 : memref<1x200x64xf32, #tpu.memory_space<vmem>> -> memref<200x64xf32, #tpu.memory_space<vmem>>
        %dma_start3A_601 = arith.constant 0 : i32
        %dma_start3A_602 = tpu.memref_slice %arg5[%add3A_453, %dma_start3A_601] : memref<128x200xi32, #tpu.memory_space<vmem>> -> memref<1x200xi32, #tpu.memory_space<vmem>>
        %dma_start3A_603 = tpu.memref_squeeze %dma_start3A_602 : memref<1x200xi32, #tpu.memory_space<vmem>> -> memref<200xi32, #tpu.memory_space<vmem>>
        %dma_start3A_604 = arith.constant 0 : i32
        %dma_start3A_605 = arith.constant 0 : i32
        %dma_start3A_606 = tpu.memref_slice %arg3[%dma_start3A_604, %dma_start3A_605] : memref<2000000x64xf32, #tpu.memory_space<hbm>> -> memref<2000000x64xf32, #tpu.memory_space<hbm>>
        %dma_start3A_607 = tpu.memref_slice %arg7[%dma_start3A_596] : memref<8x!tpu.dma_semaphore, #tpu.memory_space<semaphore_mem>> -> memref<1x!tpu.dma_semaphore, #tpu.memory_space<semaphore_mem>>
        %dma_start3A_608 = tpu.memref_squeeze %dma_start3A_607 : memref<1x!tpu.dma_semaphore, #tpu.memory_space<semaphore_mem>> -> memref<!tpu.dma_semaphore, #tpu.memory_space<semaphore_mem>>
        tpu.enqueue_indirect_dma source(%dma_start3A_606 : memref<2000000x64xf32, #tpu.memory_space<hbm>>) target(%dma_start3A_600 : memref<200x64xf32, #tpu.memory_space<vmem>>) offsets(%dma_start3A_603 : memref<200xi32, #tpu.memory_space<vmem>>) semaphore(%dma_start3A_608 : memref<!tpu.dma_semaphore, #tpu.memory_space<semaphore_mem>>)
      } else {
      }
      %mul3A_459 = arith.constant 8 : i32
      %mul3A_460 = arith.muli %scan3A_241, %mul3A_459 : i32
      %add3A_461 = arith.constant 5 : i32
      %add3A_462 = arith.addi %mul3A_460, %add3A_461 : i32
      %dma_wait3A_463 = arith.constant 5 : i32
      %dma_wait3A_464 = arith.constant 5 : i32
      %dma_wait3A_465 = arith.constant 0 : i32
      %dma_wait3A_466 = arith.constant 0 : i32
      %dma_wait3A_467 = tpu.memref_slice %arg6[%dma_wait3A_463, %dma_wait3A_465, %dma_wait3A_466] : memref<8x200x64xf32, #tpu.memory_space<vmem>> -> memref<1x200x64xf32, #tpu.memory_space<vmem>>
      %dma_wait3A_468 = tpu.memref_squeeze %dma_wait3A_467 : memref<1x200x64xf32, #tpu.memory_space<vmem>> -> memref<200x64xf32, #tpu.memory_space<vmem>>
      %dma_wait3A_469 = arith.constant 0 : i32
      %dma_wait3A_470 = tpu.memref_slice %arg5[%add3A_462, %dma_wait3A_469] : memref<128x200xi32, #tpu.memory_space<vmem>> -> memref<1x200xi32, #tpu.memory_space<vmem>>
      %dma_wait3A_471 = tpu.memref_squeeze %dma_wait3A_470 : memref<1x200xi32, #tpu.memory_space<vmem>> -> memref<200xi32, #tpu.memory_space<vmem>>
      %dma_wait3A_472 = arith.constant 0 : i32
      %dma_wait3A_473 = arith.constant 0 : i32
      %dma_wait3A_474 = tpu.memref_slice %arg3[%dma_wait3A_472, %dma_wait3A_473] : memref<2000000x64xf32, #tpu.memory_space<hbm>> -> memref<2000000x64xf32, #tpu.memory_space<hbm>>
      %dma_wait3A_475 = tpu.memref_slice %arg7[%dma_wait3A_464] : memref<8x!tpu.dma_semaphore, #tpu.memory_space<semaphore_mem>> -> memref<1x!tpu.dma_semaphore, #tpu.memory_space<semaphore_mem>>
      %dma_wait3A_476 = tpu.memref_squeeze %dma_wait3A_475 : memref<1x!tpu.dma_semaphore, #tpu.memory_space<semaphore_mem>> -> memref<!tpu.dma_semaphore, #tpu.memory_space<semaphore_mem>>
      tpu.wait_indirect_dma semaphore(%dma_wait3A_476 : memref<!tpu.dma_semaphore, #tpu.memory_space<semaphore_mem>>) src(%dma_wait3A_474 : memref<2000000x64xf32, #tpu.memory_space<hbm>>) dst(%dma_wait3A_468 : memref<200x64xf32, #tpu.memory_space<vmem>>)
      %add3A_477 = arith.addi %mul3A_2, %add3A_462 : i32
      %mul3A_478 = arith.constant 200 : i32
      %mul3A_479 = arith.muli %add3A_477, %mul3A_478 : i32
      %dma_start3A_480 = arith.constant 5 : i32
      %dma_start3A_481 = arith.constant 5 : i32
      %dma_start3A_482 = arith.constant 0 : i32
      %dma_start3A_483 = arith.constant 0 : i32
      %dma_start3A_484 = tpu.memref_slice %arg6[%dma_start3A_480, %dma_start3A_482, %dma_start3A_483] : memref<8x200x64xf32, #tpu.memory_space<vmem>> -> memref<1x200x64xf32, #tpu.memory_space<vmem>>
      %dma_start3A_485 = tpu.memref_squeeze %dma_start3A_484 : memref<1x200x64xf32, #tpu.memory_space<vmem>> -> memref<200x64xf32, #tpu.memory_space<vmem>>
      %dma_start3A_486 = arith.constant 0 : i32
      %dma_start3A_487 = tpu.memref_slice %arg4[%mul3A_479, %dma_start3A_486] : memref<819200x128xf32, #tpu.memory_space<hbm>> -> memref<200x64xf32, #tpu.memory_space<hbm>>
      %dma_start3A_488 = tpu.memref_slice %arg8[%dma_start3A_481] : memref<8x!tpu.dma_semaphore, #tpu.memory_space<semaphore_mem>> -> memref<1x!tpu.dma_semaphore, #tpu.memory_space<semaphore_mem>>
      %dma_start3A_489 = tpu.memref_squeeze %dma_start3A_488 : memref<1x!tpu.dma_semaphore, #tpu.memory_space<semaphore_mem>> -> memref<!tpu.dma_semaphore, #tpu.memory_space<semaphore_mem>>
      %dma_start3A_490 = arith.constant 0 : i32
      %dma_start3A_491 = tpu.memref_slice %arg4[%mul3A_479, %dma_start3A_490] : memref<819200x128xf32, #tpu.memory_space<hbm>> -> memref<200x64xf32, #tpu.memory_space<hbm>>
      %dma_start3A_492 = arith.constant 0 : i32
      %dma_start3A_493 = arith.constant 0 : i32
      %dma_start3A_494 = tpu.memref_slice %arg6[%dma_start3A_480, %dma_start3A_492, %dma_start3A_493] : memref<8x200x64xf32, #tpu.memory_space<vmem>> -> memref<1x200x64xf32, #tpu.memory_space<vmem>>
      %dma_start3A_495 = tpu.memref_squeeze %dma_start3A_494 : memref<1x200x64xf32, #tpu.memory_space<vmem>> -> memref<200x64xf32, #tpu.memory_space<vmem>>
      tpu.enqueue_dma source(%dma_start3A_495 : memref<200x64xf32, #tpu.memory_space<vmem>>) target(%dma_start3A_491 : memref<200x64xf32, #tpu.memory_space<hbm>>) target_semaphore(%dma_start3A_489 : memref<!tpu.dma_semaphore, #tpu.memory_space<semaphore_mem>>)
      %add3A_496 = arith.constant 5 : i32
      %add3A_497 = arith.addi %add3A_462, %add3A_496 : i32
      %lt3A_498 = arith.constant 128 : i32
      %lt3A_499 = arith.cmpi slt, %add3A_497, %lt3A_498 : i32
      %convert_element_type3A_500 = arith.extui %lt3A_499 : i1 to i32
      %cond3A_501 = arith.constant 0 : i32
      %cond3A_502 = arith.cmpi ne, %convert_element_type3A_500, %cond3A_501 : i32
      scf.if %cond3A_502 {
        %ge3A = arith.constant 8 : i32
        %ge3A_591 = arith.cmpi sge, %add3A_497, %ge3A : i32
        %convert_element_type3A_592 = arith.extui %ge3A_591 : i1 to i32
        %cond3A_593 = arith.constant 0 : i32
        %cond3A_594 = arith.cmpi ne, %convert_element_type3A_592, %cond3A_593 : i32
        scf.if %cond3A_594 {
          %sub3A = arith.constant 8 : i32
          %sub3A_609 = arith.subi %add3A_497, %sub3A : i32
          %add3A_610 = arith.addi %mul3A_2, %sub3A_609 : i32
          %mul3A_611 = arith.constant 200 : i32
          %mul3A_612 = arith.muli %add3A_610, %mul3A_611 : i32
          %dma_wait3A_613 = arith.constant 2 : i32
          %dma_wait3A_614 = arith.constant 2 : i32
          %dma_wait3A_615 = arith.constant 0 : i32
          %dma_wait3A_616 = arith.constant 0 : i32
          %dma_wait3A_617 = tpu.memref_slice %arg6[%dma_wait3A_613, %dma_wait3A_615, %dma_wait3A_616] : memref<8x200x64xf32, #tpu.memory_space<vmem>> -> memref<1x200x64xf32, #tpu.memory_space<vmem>>
          %dma_wait3A_618 = tpu.memref_squeeze %dma_wait3A_617 : memref<1x200x64xf32, #tpu.memory_space<vmem>> -> memref<200x64xf32, #tpu.memory_space<vmem>>
          %dma_wait3A_619 = arith.constant 0 : i32
          %dma_wait3A_620 = tpu.memref_slice %arg4[%mul3A_612, %dma_wait3A_619] : memref<819200x128xf32, #tpu.memory_space<hbm>> -> memref<200x64xf32, #tpu.memory_space<hbm>>
          %dma_wait3A_621 = tpu.memref_slice %arg8[%dma_wait3A_614] : memref<8x!tpu.dma_semaphore, #tpu.memory_space<semaphore_mem>> -> memref<1x!tpu.dma_semaphore, #tpu.memory_space<semaphore_mem>>
          %dma_wait3A_622 = tpu.memref_squeeze %dma_wait3A_621 : memref<1x!tpu.dma_semaphore, #tpu.memory_space<semaphore_mem>> -> memref<!tpu.dma_semaphore, #tpu.memory_space<semaphore_mem>>
          %dma_wait3A_623 = arith.constant 0 : i32
          %dma_wait3A_624 = tpu.memref_slice %arg4[%mul3A_612, %dma_wait3A_623] : memref<819200x128xf32, #tpu.memory_space<hbm>> -> memref<200x64xf32, #tpu.memory_space<hbm>>
          %dma_wait3A_625 = arith.constant 0 : i32
          %dma_wait3A_626 = arith.constant 0 : i32
          %dma_wait3A_627 = tpu.memref_slice %arg6[%dma_wait3A_613, %dma_wait3A_625, %dma_wait3A_626] : memref<8x200x64xf32, #tpu.memory_space<vmem>> -> memref<1x200x64xf32, #tpu.memory_space<vmem>>
          %dma_wait3A_628 = tpu.memref_squeeze %dma_wait3A_627 : memref<1x200x64xf32, #tpu.memory_space<vmem>> -> memref<200x64xf32, #tpu.memory_space<vmem>>
          tpu.wait_dma2 semaphore(%dma_wait3A_622 : memref<!tpu.dma_semaphore, #tpu.memory_space<semaphore_mem>>) src(%dma_wait3A_628 : memref<200x64xf32, #tpu.memory_space<vmem>>) dst(%dma_wait3A_624 : memref<200x64xf32, #tpu.memory_space<hbm>>)
        } else {
        }
        %dma_start3A_595 = arith.constant 2 : i32
        %dma_start3A_596 = arith.constant 2 : i32
        %dma_start3A_597 = arith.constant 0 : i32
        %dma_start3A_598 = arith.constant 0 : i32
        %dma_start3A_599 = tpu.memref_slice %arg6[%dma_start3A_595, %dma_start3A_597, %dma_start3A_598] : memref<8x200x64xf32, #tpu.memory_space<vmem>> -> memref<1x200x64xf32, #tpu.memory_space<vmem>>
        %dma_start3A_600 = tpu.memref_squeeze %dma_start3A_599 : memref<1x200x64xf32, #tpu.memory_space<vmem>> -> memref<200x64xf32, #tpu.memory_space<vmem>>
        %dma_start3A_601 = arith.constant 0 : i32
        %dma_start3A_602 = tpu.memref_slice %arg5[%add3A_497, %dma_start3A_601] : memref<128x200xi32, #tpu.memory_space<vmem>> -> memref<1x200xi32, #tpu.memory_space<vmem>>
        %dma_start3A_603 = tpu.memref_squeeze %dma_start3A_602 : memref<1x200xi32, #tpu.memory_space<vmem>> -> memref<200xi32, #tpu.memory_space<vmem>>
        %dma_start3A_604 = arith.constant 0 : i32
        %dma_start3A_605 = arith.constant 0 : i32
        %dma_start3A_606 = tpu.memref_slice %arg3[%dma_start3A_604, %dma_start3A_605] : memref<2000000x64xf32, #tpu.memory_space<hbm>> -> memref<2000000x64xf32, #tpu.memory_space<hbm>>
        %dma_start3A_607 = tpu.memref_slice %arg7[%dma_start3A_596] : memref<8x!tpu.dma_semaphore, #tpu.memory_space<semaphore_mem>> -> memref<1x!tpu.dma_semaphore, #tpu.memory_space<semaphore_mem>>
        %dma_start3A_608 = tpu.memref_squeeze %dma_start3A_607 : memref<1x!tpu.dma_semaphore, #tpu.memory_space<semaphore_mem>> -> memref<!tpu.dma_semaphore, #tpu.memory_space<semaphore_mem>>
        tpu.enqueue_indirect_dma source(%dma_start3A_606 : memref<2000000x64xf32, #tpu.memory_space<hbm>>) target(%dma_start3A_600 : memref<200x64xf32, #tpu.memory_space<vmem>>) offsets(%dma_start3A_603 : memref<200xi32, #tpu.memory_space<vmem>>) semaphore(%dma_start3A_608 : memref<!tpu.dma_semaphore, #tpu.memory_space<semaphore_mem>>)
      } else {
      }
      %mul3A_503 = arith.constant 8 : i32
      %mul3A_504 = arith.muli %scan3A_241, %mul3A_503 : i32
      %add3A_505 = arith.constant 6 : i32
      %add3A_506 = arith.addi %mul3A_504, %add3A_505 : i32
      %dma_wait3A_507 = arith.constant 6 : i32
      %dma_wait3A_508 = arith.constant 6 : i32
      %dma_wait3A_509 = arith.constant 0 : i32
      %dma_wait3A_510 = arith.constant 0 : i32
      %dma_wait3A_511 = tpu.memref_slice %arg6[%dma_wait3A_507, %dma_wait3A_509, %dma_wait3A_510] : memref<8x200x64xf32, #tpu.memory_space<vmem>> -> memref<1x200x64xf32, #tpu.memory_space<vmem>>
      %dma_wait3A_512 = tpu.memref_squeeze %dma_wait3A_511 : memref<1x200x64xf32, #tpu.memory_space<vmem>> -> memref<200x64xf32, #tpu.memory_space<vmem>>
      %dma_wait3A_513 = arith.constant 0 : i32
      %dma_wait3A_514 = tpu.memref_slice %arg5[%add3A_506, %dma_wait3A_513] : memref<128x200xi32, #tpu.memory_space<vmem>> -> memref<1x200xi32, #tpu.memory_space<vmem>>
      %dma_wait3A_515 = tpu.memref_squeeze %dma_wait3A_514 : memref<1x200xi32, #tpu.memory_space<vmem>> -> memref<200xi32, #tpu.memory_space<vmem>>
      %dma_wait3A_516 = arith.constant 0 : i32
      %dma_wait3A_517 = arith.constant 0 : i32
      %dma_wait3A_518 = tpu.memref_slice %arg3[%dma_wait3A_516, %dma_wait3A_517] : memref<2000000x64xf32, #tpu.memory_space<hbm>> -> memref<2000000x64xf32, #tpu.memory_space<hbm>>
      %dma_wait3A_519 = tpu.memref_slice %arg7[%dma_wait3A_508] : memref<8x!tpu.dma_semaphore, #tpu.memory_space<semaphore_mem>> -> memref<1x!tpu.dma_semaphore, #tpu.memory_space<semaphore_mem>>
      %dma_wait3A_520 = tpu.memref_squeeze %dma_wait3A_519 : memref<1x!tpu.dma_semaphore, #tpu.memory_space<semaphore_mem>> -> memref<!tpu.dma_semaphore, #tpu.memory_space<semaphore_mem>>
      tpu.wait_indirect_dma semaphore(%dma_wait3A_520 : memref<!tpu.dma_semaphore, #tpu.memory_space<semaphore_mem>>) src(%dma_wait3A_518 : memref<2000000x64xf32, #tpu.memory_space<hbm>>) dst(%dma_wait3A_512 : memref<200x64xf32, #tpu.memory_space<vmem>>)
      %add3A_521 = arith.addi %mul3A_2, %add3A_506 : i32
      %mul3A_522 = arith.constant 200 : i32
      %mul3A_523 = arith.muli %add3A_521, %mul3A_522 : i32
      %dma_start3A_524 = arith.constant 6 : i32
      %dma_start3A_525 = arith.constant 6 : i32
      %dma_start3A_526 = arith.constant 0 : i32
      %dma_start3A_527 = arith.constant 0 : i32
      %dma_start3A_528 = tpu.memref_slice %arg6[%dma_start3A_524, %dma_start3A_526, %dma_start3A_527] : memref<8x200x64xf32, #tpu.memory_space<vmem>> -> memref<1x200x64xf32, #tpu.memory_space<vmem>>
      %dma_start3A_529 = tpu.memref_squeeze %dma_start3A_528 : memref<1x200x64xf32, #tpu.memory_space<vmem>> -> memref<200x64xf32, #tpu.memory_space<vmem>>
      %dma_start3A_530 = arith.constant 0 : i32
      %dma_start3A_531 = tpu.memref_slice %arg4[%mul3A_523, %dma_start3A_530] : memref<819200x128xf32, #tpu.memory_space<hbm>> -> memref<200x64xf32, #tpu.memory_space<hbm>>
      %dma_start3A_532 = tpu.memref_slice %arg8[%dma_start3A_525] : memref<8x!tpu.dma_semaphore, #tpu.memory_space<semaphore_mem>> -> memref<1x!tpu.dma_semaphore, #tpu.memory_space<semaphore_mem>>
      %dma_start3A_533 = tpu.memref_squeeze %dma_start3A_532 : memref<1x!tpu.dma_semaphore, #tpu.memory_space<semaphore_mem>> -> memref<!tpu.dma_semaphore, #tpu.memory_space<semaphore_mem>>
      %dma_start3A_534 = arith.constant 0 : i32
      %dma_start3A_535 = tpu.memref_slice %arg4[%mul3A_523, %dma_start3A_534] : memref<819200x128xf32, #tpu.memory_space<hbm>> -> memref<200x64xf32, #tpu.memory_space<hbm>>
      %dma_start3A_536 = arith.constant 0 : i32
      %dma_start3A_537 = arith.constant 0 : i32
      %dma_start3A_538 = tpu.memref_slice %arg6[%dma_start3A_524, %dma_start3A_536, %dma_start3A_537] : memref<8x200x64xf32, #tpu.memory_space<vmem>> -> memref<1x200x64xf32, #tpu.memory_space<vmem>>
      %dma_start3A_539 = tpu.memref_squeeze %dma_start3A_538 : memref<1x200x64xf32, #tpu.memory_space<vmem>> -> memref<200x64xf32, #tpu.memory_space<vmem>>
      tpu.enqueue_dma source(%dma_start3A_539 : memref<200x64xf32, #tpu.memory_space<vmem>>) target(%dma_start3A_535 : memref<200x64xf32, #tpu.memory_space<hbm>>) target_semaphore(%dma_start3A_533 : memref<!tpu.dma_semaphore, #tpu.memory_space<semaphore_mem>>)
      %add3A_540 = arith.constant 5 : i32
      %add3A_541 = arith.addi %add3A_506, %add3A_540 : i32
      %lt3A_542 = arith.constant 128 : i32
      %lt3A_543 = arith.cmpi slt, %add3A_541, %lt3A_542 : i32
      %convert_element_type3A_544 = arith.extui %lt3A_543 : i1 to i32
      %cond3A_545 = arith.constant 0 : i32
      %cond3A_546 = arith.cmpi ne, %convert_element_type3A_544, %cond3A_545 : i32
      scf.if %cond3A_546 {
        %ge3A = arith.constant 8 : i32
        %ge3A_591 = arith.cmpi sge, %add3A_541, %ge3A : i32
        %convert_element_type3A_592 = arith.extui %ge3A_591 : i1 to i32
        %cond3A_593 = arith.constant 0 : i32
        %cond3A_594 = arith.cmpi ne, %convert_element_type3A_592, %cond3A_593 : i32
        scf.if %cond3A_594 {
          %sub3A = arith.constant 8 : i32
          %sub3A_609 = arith.subi %add3A_541, %sub3A : i32
          %add3A_610 = arith.addi %mul3A_2, %sub3A_609 : i32
          %mul3A_611 = arith.constant 200 : i32
          %mul3A_612 = arith.muli %add3A_610, %mul3A_611 : i32
          %dma_wait3A_613 = arith.constant 3 : i32
          %dma_wait3A_614 = arith.constant 3 : i32
          %dma_wait3A_615 = arith.constant 0 : i32
          %dma_wait3A_616 = arith.constant 0 : i32
          %dma_wait3A_617 = tpu.memref_slice %arg6[%dma_wait3A_613, %dma_wait3A_615, %dma_wait3A_616] : memref<8x200x64xf32, #tpu.memory_space<vmem>> -> memref<1x200x64xf32, #tpu.memory_space<vmem>>
          %dma_wait3A_618 = tpu.memref_squeeze %dma_wait3A_617 : memref<1x200x64xf32, #tpu.memory_space<vmem>> -> memref<200x64xf32, #tpu.memory_space<vmem>>
          %dma_wait3A_619 = arith.constant 0 : i32
          %dma_wait3A_620 = tpu.memref_slice %arg4[%mul3A_612, %dma_wait3A_619] : memref<819200x128xf32, #tpu.memory_space<hbm>> -> memref<200x64xf32, #tpu.memory_space<hbm>>
          %dma_wait3A_621 = tpu.memref_slice %arg8[%dma_wait3A_614] : memref<8x!tpu.dma_semaphore, #tpu.memory_space<semaphore_mem>> -> memref<1x!tpu.dma_semaphore, #tpu.memory_space<semaphore_mem>>
          %dma_wait3A_622 = tpu.memref_squeeze %dma_wait3A_621 : memref<1x!tpu.dma_semaphore, #tpu.memory_space<semaphore_mem>> -> memref<!tpu.dma_semaphore, #tpu.memory_space<semaphore_mem>>
          %dma_wait3A_623 = arith.constant 0 : i32
          %dma_wait3A_624 = tpu.memref_slice %arg4[%mul3A_612, %dma_wait3A_623] : memref<819200x128xf32, #tpu.memory_space<hbm>> -> memref<200x64xf32, #tpu.memory_space<hbm>>
          %dma_wait3A_625 = arith.constant 0 : i32
          %dma_wait3A_626 = arith.constant 0 : i32
          %dma_wait3A_627 = tpu.memref_slice %arg6[%dma_wait3A_613, %dma_wait3A_625, %dma_wait3A_626] : memref<8x200x64xf32, #tpu.memory_space<vmem>> -> memref<1x200x64xf32, #tpu.memory_space<vmem>>
          %dma_wait3A_628 = tpu.memref_squeeze %dma_wait3A_627 : memref<1x200x64xf32, #tpu.memory_space<vmem>> -> memref<200x64xf32, #tpu.memory_space<vmem>>
          tpu.wait_dma2 semaphore(%dma_wait3A_622 : memref<!tpu.dma_semaphore, #tpu.memory_space<semaphore_mem>>) src(%dma_wait3A_628 : memref<200x64xf32, #tpu.memory_space<vmem>>) dst(%dma_wait3A_624 : memref<200x64xf32, #tpu.memory_space<hbm>>)
        } else {
        }
        %dma_start3A_595 = arith.constant 3 : i32
        %dma_start3A_596 = arith.constant 3 : i32
        %dma_start3A_597 = arith.constant 0 : i32
        %dma_start3A_598 = arith.constant 0 : i32
        %dma_start3A_599 = tpu.memref_slice %arg6[%dma_start3A_595, %dma_start3A_597, %dma_start3A_598] : memref<8x200x64xf32, #tpu.memory_space<vmem>> -> memref<1x200x64xf32, #tpu.memory_space<vmem>>
        %dma_start3A_600 = tpu.memref_squeeze %dma_start3A_599 : memref<1x200x64xf32, #tpu.memory_space<vmem>> -> memref<200x64xf32, #tpu.memory_space<vmem>>
        %dma_start3A_601 = arith.constant 0 : i32
        %dma_start3A_602 = tpu.memref_slice %arg5[%add3A_541, %dma_start3A_601] : memref<128x200xi32, #tpu.memory_space<vmem>> -> memref<1x200xi32, #tpu.memory_space<vmem>>
        %dma_start3A_603 = tpu.memref_squeeze %dma_start3A_602 : memref<1x200xi32, #tpu.memory_space<vmem>> -> memref<200xi32, #tpu.memory_space<vmem>>
        %dma_start3A_604 = arith.constant 0 : i32
        %dma_start3A_605 = arith.constant 0 : i32
        %dma_start3A_606 = tpu.memref_slice %arg3[%dma_start3A_604, %dma_start3A_605] : memref<2000000x64xf32, #tpu.memory_space<hbm>> -> memref<2000000x64xf32, #tpu.memory_space<hbm>>
        %dma_start3A_607 = tpu.memref_slice %arg7[%dma_start3A_596] : memref<8x!tpu.dma_semaphore, #tpu.memory_space<semaphore_mem>> -> memref<1x!tpu.dma_semaphore, #tpu.memory_space<semaphore_mem>>
        %dma_start3A_608 = tpu.memref_squeeze %dma_start3A_607 : memref<1x!tpu.dma_semaphore, #tpu.memory_space<semaphore_mem>> -> memref<!tpu.dma_semaphore, #tpu.memory_space<semaphore_mem>>
        tpu.enqueue_indirect_dma source(%dma_start3A_606 : memref<2000000x64xf32, #tpu.memory_space<hbm>>) target(%dma_start3A_600 : memref<200x64xf32, #tpu.memory_space<vmem>>) offsets(%dma_start3A_603 : memref<200xi32, #tpu.memory_space<vmem>>) semaphore(%dma_start3A_608 : memref<!tpu.dma_semaphore, #tpu.memory_space<semaphore_mem>>)
      } else {
      }
      %mul3A_547 = arith.constant 8 : i32
      %mul3A_548 = arith.muli %scan3A_241, %mul3A_547 : i32
      %add3A_549 = arith.constant 7 : i32
      %add3A_550 = arith.addi %mul3A_548, %add3A_549 : i32
      %dma_wait3A_551 = arith.constant 7 : i32
      %dma_wait3A_552 = arith.constant 7 : i32
      %dma_wait3A_553 = arith.constant 0 : i32
      %dma_wait3A_554 = arith.constant 0 : i32
      %dma_wait3A_555 = tpu.memref_slice %arg6[%dma_wait3A_551, %dma_wait3A_553, %dma_wait3A_554] : memref<8x200x64xf32, #tpu.memory_space<vmem>> -> memref<1x200x64xf32, #tpu.memory_space<vmem>>
      %dma_wait3A_556 = tpu.memref_squeeze %dma_wait3A_555 : memref<1x200x64xf32, #tpu.memory_space<vmem>> -> memref<200x64xf32, #tpu.memory_space<vmem>>
      %dma_wait3A_557 = arith.constant 0 : i32
      %dma_wait3A_558 = tpu.memref_slice %arg5[%add3A_550, %dma_wait3A_557] : memref<128x200xi32, #tpu.memory_space<vmem>> -> memref<1x200xi32, #tpu.memory_space<vmem>>
      %dma_wait3A_559 = tpu.memref_squeeze %dma_wait3A_558 : memref<1x200xi32, #tpu.memory_space<vmem>> -> memref<200xi32, #tpu.memory_space<vmem>>
      %dma_wait3A_560 = arith.constant 0 : i32
      %dma_wait3A_561 = arith.constant 0 : i32
      %dma_wait3A_562 = tpu.memref_slice %arg3[%dma_wait3A_560, %dma_wait3A_561] : memref<2000000x64xf32, #tpu.memory_space<hbm>> -> memref<2000000x64xf32, #tpu.memory_space<hbm>>
      %dma_wait3A_563 = tpu.memref_slice %arg7[%dma_wait3A_552] : memref<8x!tpu.dma_semaphore, #tpu.memory_space<semaphore_mem>> -> memref<1x!tpu.dma_semaphore, #tpu.memory_space<semaphore_mem>>
      %dma_wait3A_564 = tpu.memref_squeeze %dma_wait3A_563 : memref<1x!tpu.dma_semaphore, #tpu.memory_space<semaphore_mem>> -> memref<!tpu.dma_semaphore, #tpu.memory_space<semaphore_mem>>
      tpu.wait_indirect_dma semaphore(%dma_wait3A_564 : memref<!tpu.dma_semaphore, #tpu.memory_space<semaphore_mem>>) src(%dma_wait3A_562 : memref<2000000x64xf32, #tpu.memory_space<hbm>>) dst(%dma_wait3A_556 : memref<200x64xf32, #tpu.memory_space<vmem>>)
      %add3A_565 = arith.addi %mul3A_2, %add3A_550 : i32
      %mul3A_566 = arith.constant 200 : i32
      %mul3A_567 = arith.muli %add3A_565, %mul3A_566 : i32
      %dma_start3A_568 = arith.constant 7 : i32
      %dma_start3A_569 = arith.constant 7 : i32
      %dma_start3A_570 = arith.constant 0 : i32
      %dma_start3A_571 = arith.constant 0 : i32
      %dma_start3A_572 = tpu.memref_slice %arg6[%dma_start3A_568, %dma_start3A_570, %dma_start3A_571] : memref<8x200x64xf32, #tpu.memory_space<vmem>> -> memref<1x200x64xf32, #tpu.memory_space<vmem>>
      %dma_start3A_573 = tpu.memref_squeeze %dma_start3A_572 : memref<1x200x64xf32, #tpu.memory_space<vmem>> -> memref<200x64xf32, #tpu.memory_space<vmem>>
      %dma_start3A_574 = arith.constant 0 : i32
      %dma_start3A_575 = tpu.memref_slice %arg4[%mul3A_567, %dma_start3A_574] : memref<819200x128xf32, #tpu.memory_space<hbm>> -> memref<200x64xf32, #tpu.memory_space<hbm>>
      %dma_start3A_576 = tpu.memref_slice %arg8[%dma_start3A_569] : memref<8x!tpu.dma_semaphore, #tpu.memory_space<semaphore_mem>> -> memref<1x!tpu.dma_semaphore, #tpu.memory_space<semaphore_mem>>
      %dma_start3A_577 = tpu.memref_squeeze %dma_start3A_576 : memref<1x!tpu.dma_semaphore, #tpu.memory_space<semaphore_mem>> -> memref<!tpu.dma_semaphore, #tpu.memory_space<semaphore_mem>>
      %dma_start3A_578 = arith.constant 0 : i32
      %dma_start3A_579 = tpu.memref_slice %arg4[%mul3A_567, %dma_start3A_578] : memref<819200x128xf32, #tpu.memory_space<hbm>> -> memref<200x64xf32, #tpu.memory_space<hbm>>
      %dma_start3A_580 = arith.constant 0 : i32
      %dma_start3A_581 = arith.constant 0 : i32
      %dma_start3A_582 = tpu.memref_slice %arg6[%dma_start3A_568, %dma_start3A_580, %dma_start3A_581] : memref<8x200x64xf32, #tpu.memory_space<vmem>> -> memref<1x200x64xf32, #tpu.memory_space<vmem>>
      %dma_start3A_583 = tpu.memref_squeeze %dma_start3A_582 : memref<1x200x64xf32, #tpu.memory_space<vmem>> -> memref<200x64xf32, #tpu.memory_space<vmem>>
      tpu.enqueue_dma source(%dma_start3A_583 : memref<200x64xf32, #tpu.memory_space<vmem>>) target(%dma_start3A_579 : memref<200x64xf32, #tpu.memory_space<hbm>>) target_semaphore(%dma_start3A_577 : memref<!tpu.dma_semaphore, #tpu.memory_space<semaphore_mem>>)
      %add3A_584 = arith.constant 5 : i32
      %add3A_585 = arith.addi %add3A_550, %add3A_584 : i32
      %lt3A_586 = arith.constant 128 : i32
      %lt3A_587 = arith.cmpi slt, %add3A_585, %lt3A_586 : i32
      %convert_element_type3A_588 = arith.extui %lt3A_587 : i1 to i32
      %cond3A_589 = arith.constant 0 : i32
      %cond3A_590 = arith.cmpi ne, %convert_element_type3A_588, %cond3A_589 : i32
      scf.if %cond3A_590 {
        %ge3A = arith.constant 8 : i32
        %ge3A_591 = arith.cmpi sge, %add3A_585, %ge3A : i32
        %convert_element_type3A_592 = arith.extui %ge3A_591 : i1 to i32
        %cond3A_593 = arith.constant 0 : i32
        %cond3A_594 = arith.cmpi ne, %convert_element_type3A_592, %cond3A_593 : i32
        scf.if %cond3A_594 {
          %sub3A = arith.constant 8 : i32
          %sub3A_609 = arith.subi %add3A_585, %sub3A : i32
          %add3A_610 = arith.addi %mul3A_2, %sub3A_609 : i32
          %mul3A_611 = arith.constant 200 : i32
          %mul3A_612 = arith.muli %add3A_610, %mul3A_611 : i32
          %dma_wait3A_613 = arith.constant 4 : i32
          %dma_wait3A_614 = arith.constant 4 : i32
          %dma_wait3A_615 = arith.constant 0 : i32
          %dma_wait3A_616 = arith.constant 0 : i32
          %dma_wait3A_617 = tpu.memref_slice %arg6[%dma_wait3A_613, %dma_wait3A_615, %dma_wait3A_616] : memref<8x200x64xf32, #tpu.memory_space<vmem>> -> memref<1x200x64xf32, #tpu.memory_space<vmem>>
          %dma_wait3A_618 = tpu.memref_squeeze %dma_wait3A_617 : memref<1x200x64xf32, #tpu.memory_space<vmem>> -> memref<200x64xf32, #tpu.memory_space<vmem>>
          %dma_wait3A_619 = arith.constant 0 : i32
          %dma_wait3A_620 = tpu.memref_slice %arg4[%mul3A_612, %dma_wait3A_619] : memref<819200x128xf32, #tpu.memory_space<hbm>> -> memref<200x64xf32, #tpu.memory_space<hbm>>
          %dma_wait3A_621 = tpu.memref_slice %arg8[%dma_wait3A_614] : memref<8x!tpu.dma_semaphore, #tpu.memory_space<semaphore_mem>> -> memref<1x!tpu.dma_semaphore, #tpu.memory_space<semaphore_mem>>
          %dma_wait3A_622 = tpu.memref_squeeze %dma_wait3A_621 : memref<1x!tpu.dma_semaphore, #tpu.memory_space<semaphore_mem>> -> memref<!tpu.dma_semaphore, #tpu.memory_space<semaphore_mem>>
          %dma_wait3A_623 = arith.constant 0 : i32
          %dma_wait3A_624 = tpu.memref_slice %arg4[%mul3A_612, %dma_wait3A_623] : memref<819200x128xf32, #tpu.memory_space<hbm>> -> memref<200x64xf32, #tpu.memory_space<hbm>>
          %dma_wait3A_625 = arith.constant 0 : i32
          %dma_wait3A_626 = arith.constant 0 : i32
          %dma_wait3A_627 = tpu.memref_slice %arg6[%dma_wait3A_613, %dma_wait3A_625, %dma_wait3A_626] : memref<8x200x64xf32, #tpu.memory_space<vmem>> -> memref<1x200x64xf32, #tpu.memory_space<vmem>>
          %dma_wait3A_628 = tpu.memref_squeeze %dma_wait3A_627 : memref<1x200x64xf32, #tpu.memory_space<vmem>> -> memref<200x64xf32, #tpu.memory_space<vmem>>
          tpu.wait_dma2 semaphore(%dma_wait3A_622 : memref<!tpu.dma_semaphore, #tpu.memory_space<semaphore_mem>>) src(%dma_wait3A_628 : memref<200x64xf32, #tpu.memory_space<vmem>>) dst(%dma_wait3A_624 : memref<200x64xf32, #tpu.memory_space<hbm>>)
        } else {
        }
        %dma_start3A_595 = arith.constant 4 : i32
        %dma_start3A_596 = arith.constant 4 : i32
        %dma_start3A_597 = arith.constant 0 : i32
        %dma_start3A_598 = arith.constant 0 : i32
        %dma_start3A_599 = tpu.memref_slice %arg6[%dma_start3A_595, %dma_start3A_597, %dma_start3A_598] : memref<8x200x64xf32, #tpu.memory_space<vmem>> -> memref<1x200x64xf32, #tpu.memory_space<vmem>>
        %dma_start3A_600 = tpu.memref_squeeze %dma_start3A_599 : memref<1x200x64xf32, #tpu.memory_space<vmem>> -> memref<200x64xf32, #tpu.memory_space<vmem>>
        %dma_start3A_601 = arith.constant 0 : i32
        %dma_start3A_602 = tpu.memref_slice %arg5[%add3A_585, %dma_start3A_601] : memref<128x200xi32, #tpu.memory_space<vmem>> -> memref<1x200xi32, #tpu.memory_space<vmem>>
        %dma_start3A_603 = tpu.memref_squeeze %dma_start3A_602 : memref<1x200xi32, #tpu.memory_space<vmem>> -> memref<200xi32, #tpu.memory_space<vmem>>
        %dma_start3A_604 = arith.constant 0 : i32
        %dma_start3A_605 = arith.constant 0 : i32
        %dma_start3A_606 = tpu.memref_slice %arg3[%dma_start3A_604, %dma_start3A_605] : memref<2000000x64xf32, #tpu.memory_space<hbm>> -> memref<2000000x64xf32, #tpu.memory_space<hbm>>
        %dma_start3A_607 = tpu.memref_slice %arg7[%dma_start3A_596] : memref<8x!tpu.dma_semaphore, #tpu.memory_space<semaphore_mem>> -> memref<1x!tpu.dma_semaphore, #tpu.memory_space<semaphore_mem>>
        %dma_start3A_608 = tpu.memref_squeeze %dma_start3A_607 : memref<1x!tpu.dma_semaphore, #tpu.memory_space<semaphore_mem>> -> memref<!tpu.dma_semaphore, #tpu.memory_space<semaphore_mem>>
        tpu.enqueue_indirect_dma source(%dma_start3A_606 : memref<2000000x64xf32, #tpu.memory_space<hbm>>) target(%dma_start3A_600 : memref<200x64xf32, #tpu.memory_space<vmem>>) offsets(%dma_start3A_603 : memref<200xi32, #tpu.memory_space<vmem>>) semaphore(%dma_start3A_608 : memref<!tpu.dma_semaphore, #tpu.memory_space<semaphore_mem>>)
      } else {
      }
    }
    %scan3A_81 = arith.constant 16 : i32
    %add3A_82 = arith.constant 120 : i32
    %add3A_83 = arith.addi %mul3A_2, %add3A_82 : i32
    %mul3A_84 = arith.constant 200 : i32
    %mul3A_85 = arith.muli %add3A_83, %mul3A_84 : i32
    %dma_wait3A = arith.constant 0 : i32
    %dma_wait3A_86 = arith.constant 0 : i32
    %dma_wait3A_87 = arith.constant 0 : i32
    %dma_wait3A_88 = arith.constant 0 : i32
    %dma_wait3A_89 = tpu.memref_slice %arg6[%dma_wait3A, %dma_wait3A_87, %dma_wait3A_88] : memref<8x200x64xf32, #tpu.memory_space<vmem>> -> memref<1x200x64xf32, #tpu.memory_space<vmem>>
    %dma_wait3A_90 = tpu.memref_squeeze %dma_wait3A_89 : memref<1x200x64xf32, #tpu.memory_space<vmem>> -> memref<200x64xf32, #tpu.memory_space<vmem>>
    %dma_wait3A_91 = arith.constant 0 : i32
    %dma_wait3A_92 = tpu.memref_slice %arg4[%mul3A_85, %dma_wait3A_91] : memref<819200x128xf32, #tpu.memory_space<hbm>> -> memref<200x64xf32, #tpu.memory_space<hbm>>
    %dma_wait3A_93 = tpu.memref_slice %arg8[%dma_wait3A_86] : memref<8x!tpu.dma_semaphore, #tpu.memory_space<semaphore_mem>> -> memref<1x!tpu.dma_semaphore, #tpu.memory_space<semaphore_mem>>
    %dma_wait3A_94 = tpu.memref_squeeze %dma_wait3A_93 : memref<1x!tpu.dma_semaphore, #tpu.memory_space<semaphore_mem>> -> memref<!tpu.dma_semaphore, #tpu.memory_space<semaphore_mem>>
    %dma_wait3A_95 = arith.constant 0 : i32
    %dma_wait3A_96 = tpu.memref_slice %arg4[%mul3A_85, %dma_wait3A_95] : memref<819200x128xf32, #tpu.memory_space<hbm>> -> memref<200x64xf32, #tpu.memory_space<hbm>>
    %dma_wait3A_97 = arith.constant 0 : i32
    %dma_wait3A_98 = arith.constant 0 : i32
    %dma_wait3A_99 = tpu.memref_slice %arg6[%dma_wait3A, %dma_wait3A_97, %dma_wait3A_98] : memref<8x200x64xf32, #tpu.memory_space<vmem>> -> memref<1x200x64xf32, #tpu.memory_space<vmem>>
    %dma_wait3A_100 = tpu.memref_squeeze %dma_wait3A_99 : memref<1x200x64xf32, #tpu.memory_space<vmem>> -> memref<200x64xf32, #tpu.memory_space<vmem>>
    tpu.wait_dma2 semaphore(%dma_wait3A_94 : memref<!tpu.dma_semaphore, #tpu.memory_space<semaphore_mem>>) src(%dma_wait3A_100 : memref<200x64xf32, #tpu.memory_space<vmem>>) dst(%dma_wait3A_96 : memref<200x64xf32, #tpu.memory_space<hbm>>)
    %add3A_101 = arith.constant 121 : i32
    %add3A_102 = arith.addi %mul3A_2, %add3A_101 : i32
    %mul3A_103 = arith.constant 200 : i32
    %mul3A_104 = arith.muli %add3A_102, %mul3A_103 : i32
    %dma_wait3A_105 = arith.constant 1 : i32
    %dma_wait3A_106 = arith.constant 1 : i32
    %dma_wait3A_107 = arith.constant 0 : i32
    %dma_wait3A_108 = arith.constant 0 : i32
    %dma_wait3A_109 = tpu.memref_slice %arg6[%dma_wait3A_105, %dma_wait3A_107, %dma_wait3A_108] : memref<8x200x64xf32, #tpu.memory_space<vmem>> -> memref<1x200x64xf32, #tpu.memory_space<vmem>>
    %dma_wait3A_110 = tpu.memref_squeeze %dma_wait3A_109 : memref<1x200x64xf32, #tpu.memory_space<vmem>> -> memref<200x64xf32, #tpu.memory_space<vmem>>
    %dma_wait3A_111 = arith.constant 0 : i32
    %dma_wait3A_112 = tpu.memref_slice %arg4[%mul3A_104, %dma_wait3A_111] : memref<819200x128xf32, #tpu.memory_space<hbm>> -> memref<200x64xf32, #tpu.memory_space<hbm>>
    %dma_wait3A_113 = tpu.memref_slice %arg8[%dma_wait3A_106] : memref<8x!tpu.dma_semaphore, #tpu.memory_space<semaphore_mem>> -> memref<1x!tpu.dma_semaphore, #tpu.memory_space<semaphore_mem>>
    %dma_wait3A_114 = tpu.memref_squeeze %dma_wait3A_113 : memref<1x!tpu.dma_semaphore, #tpu.memory_space<semaphore_mem>> -> memref<!tpu.dma_semaphore, #tpu.memory_space<semaphore_mem>>
    %dma_wait3A_115 = arith.constant 0 : i32
    %dma_wait3A_116 = tpu.memref_slice %arg4[%mul3A_104, %dma_wait3A_115] : memref<819200x128xf32, #tpu.memory_space<hbm>> -> memref<200x64xf32, #tpu.memory_space<hbm>>
    %dma_wait3A_117 = arith.constant 0 : i32
    %dma_wait3A_118 = arith.constant 0 : i32
    %dma_wait3A_119 = tpu.memref_slice %arg6[%dma_wait3A_105, %dma_wait3A_117, %dma_wait3A_118] : memref<8x200x64xf32, #tpu.memory_space<vmem>> -> memref<1x200x64xf32, #tpu.memory_space<vmem>>
    %dma_wait3A_120 = tpu.memref_squeeze %dma_wait3A_119 : memref<1x200x64xf32, #tpu.memory_space<vmem>> -> memref<200x64xf32, #tpu.memory_space<vmem>>
    tpu.wait_dma2 semaphore(%dma_wait3A_114 : memref<!tpu.dma_semaphore, #tpu.memory_space<semaphore_mem>>) src(%dma_wait3A_120 : memref<200x64xf32, #tpu.memory_space<vmem>>) dst(%dma_wait3A_116 : memref<200x64xf32, #tpu.memory_space<hbm>>)
    %add3A_121 = arith.constant 122 : i32
    %add3A_122 = arith.addi %mul3A_2, %add3A_121 : i32
    %mul3A_123 = arith.constant 200 : i32
    %mul3A_124 = arith.muli %add3A_122, %mul3A_123 : i32
    %dma_wait3A_125 = arith.constant 2 : i32
    %dma_wait3A_126 = arith.constant 2 : i32
    %dma_wait3A_127 = arith.constant 0 : i32
    %dma_wait3A_128 = arith.constant 0 : i32
    %dma_wait3A_129 = tpu.memref_slice %arg6[%dma_wait3A_125, %dma_wait3A_127, %dma_wait3A_128] : memref<8x200x64xf32, #tpu.memory_space<vmem>> -> memref<1x200x64xf32, #tpu.memory_space<vmem>>
    %dma_wait3A_130 = tpu.memref_squeeze %dma_wait3A_129 : memref<1x200x64xf32, #tpu.memory_space<vmem>> -> memref<200x64xf32, #tpu.memory_space<vmem>>
    %dma_wait3A_131 = arith.constant 0 : i32
    %dma_wait3A_132 = tpu.memref_slice %arg4[%mul3A_124, %dma_wait3A_131] : memref<819200x128xf32, #tpu.memory_space<hbm>> -> memref<200x64xf32, #tpu.memory_space<hbm>>
    %dma_wait3A_133 = tpu.memref_slice %arg8[%dma_wait3A_126] : memref<8x!tpu.dma_semaphore, #tpu.memory_space<semaphore_mem>> -> memref<1x!tpu.dma_semaphore, #tpu.memory_space<semaphore_mem>>
    %dma_wait3A_134 = tpu.memref_squeeze %dma_wait3A_133 : memref<1x!tpu.dma_semaphore, #tpu.memory_space<semaphore_mem>> -> memref<!tpu.dma_semaphore, #tpu.memory_space<semaphore_mem>>
    %dma_wait3A_135 = arith.constant 0 : i32
    %dma_wait3A_136 = tpu.memref_slice %arg4[%mul3A_124, %dma_wait3A_135] : memref<819200x128xf32, #tpu.memory_space<hbm>> -> memref<200x64xf32, #tpu.memory_space<hbm>>
    %dma_wait3A_137 = arith.constant 0 : i32
    %dma_wait3A_138 = arith.constant 0 : i32
    %dma_wait3A_139 = tpu.memref_slice %arg6[%dma_wait3A_125, %dma_wait3A_137, %dma_wait3A_138] : memref<8x200x64xf32, #tpu.memory_space<vmem>> -> memref<1x200x64xf32, #tpu.memory_space<vmem>>
    %dma_wait3A_140 = tpu.memref_squeeze %dma_wait3A_139 : memref<1x200x64xf32, #tpu.memory_space<vmem>> -> memref<200x64xf32, #tpu.memory_space<vmem>>
    tpu.wait_dma2 semaphore(%dma_wait3A_134 : memref<!tpu.dma_semaphore, #tpu.memory_space<semaphore_mem>>) src(%dma_wait3A_140 : memref<200x64xf32, #tpu.memory_space<vmem>>) dst(%dma_wait3A_136 : memref<200x64xf32, #tpu.memory_space<hbm>>)
    %add3A_141 = arith.constant 123 : i32
    %add3A_142 = arith.addi %mul3A_2, %add3A_141 : i32
    %mul3A_143 = arith.constant 200 : i32
    %mul3A_144 = arith.muli %add3A_142, %mul3A_143 : i32
    %dma_wait3A_145 = arith.constant 3 : i32
    %dma_wait3A_146 = arith.constant 3 : i32
    %dma_wait3A_147 = arith.constant 0 : i32
    %dma_wait3A_148 = arith.constant 0 : i32
    %dma_wait3A_149 = tpu.memref_slice %arg6[%dma_wait3A_145, %dma_wait3A_147, %dma_wait3A_148] : memref<8x200x64xf32, #tpu.memory_space<vmem>> -> memref<1x200x64xf32, #tpu.memory_space<vmem>>
    %dma_wait3A_150 = tpu.memref_squeeze %dma_wait3A_149 : memref<1x200x64xf32, #tpu.memory_space<vmem>> -> memref<200x64xf32, #tpu.memory_space<vmem>>
    %dma_wait3A_151 = arith.constant 0 : i32
    %dma_wait3A_152 = tpu.memref_slice %arg4[%mul3A_144, %dma_wait3A_151] : memref<819200x128xf32, #tpu.memory_space<hbm>> -> memref<200x64xf32, #tpu.memory_space<hbm>>
    %dma_wait3A_153 = tpu.memref_slice %arg8[%dma_wait3A_146] : memref<8x!tpu.dma_semaphore, #tpu.memory_space<semaphore_mem>> -> memref<1x!tpu.dma_semaphore, #tpu.memory_space<semaphore_mem>>
    %dma_wait3A_154 = tpu.memref_squeeze %dma_wait3A_153 : memref<1x!tpu.dma_semaphore, #tpu.memory_space<semaphore_mem>> -> memref<!tpu.dma_semaphore, #tpu.memory_space<semaphore_mem>>
    %dma_wait3A_155 = arith.constant 0 : i32
    %dma_wait3A_156 = tpu.memref_slice %arg4[%mul3A_144, %dma_wait3A_155] : memref<819200x128xf32, #tpu.memory_space<hbm>> -> memref<200x64xf32, #tpu.memory_space<hbm>>
    %dma_wait3A_157 = arith.constant 0 : i32
    %dma_wait3A_158 = arith.constant 0 : i32
    %dma_wait3A_159 = tpu.memref_slice %arg6[%dma_wait3A_145, %dma_wait3A_157, %dma_wait3A_158] : memref<8x200x64xf32, #tpu.memory_space<vmem>> -> memref<1x200x64xf32, #tpu.memory_space<vmem>>
    %dma_wait3A_160 = tpu.memref_squeeze %dma_wait3A_159 : memref<1x200x64xf32, #tpu.memory_space<vmem>> -> memref<200x64xf32, #tpu.memory_space<vmem>>
    tpu.wait_dma2 semaphore(%dma_wait3A_154 : memref<!tpu.dma_semaphore, #tpu.memory_space<semaphore_mem>>) src(%dma_wait3A_160 : memref<200x64xf32, #tpu.memory_space<vmem>>) dst(%dma_wait3A_156 : memref<200x64xf32, #tpu.memory_space<hbm>>)
    %add3A_161 = arith.constant 124 : i32
    %add3A_162 = arith.addi %mul3A_2, %add3A_161 : i32
    %mul3A_163 = arith.constant 200 : i32
    %mul3A_164 = arith.muli %add3A_162, %mul3A_163 : i32
    %dma_wait3A_165 = arith.constant 4 : i32
    %dma_wait3A_166 = arith.constant 4 : i32
    %dma_wait3A_167 = arith.constant 0 : i32
    %dma_wait3A_168 = arith.constant 0 : i32
    %dma_wait3A_169 = tpu.memref_slice %arg6[%dma_wait3A_165, %dma_wait3A_167, %dma_wait3A_168] : memref<8x200x64xf32, #tpu.memory_space<vmem>> -> memref<1x200x64xf32, #tpu.memory_space<vmem>>
    %dma_wait3A_170 = tpu.memref_squeeze %dma_wait3A_169 : memref<1x200x64xf32, #tpu.memory_space<vmem>> -> memref<200x64xf32, #tpu.memory_space<vmem>>
    %dma_wait3A_171 = arith.constant 0 : i32
    %dma_wait3A_172 = tpu.memref_slice %arg4[%mul3A_164, %dma_wait3A_171] : memref<819200x128xf32, #tpu.memory_space<hbm>> -> memref<200x64xf32, #tpu.memory_space<hbm>>
    %dma_wait3A_173 = tpu.memref_slice %arg8[%dma_wait3A_166] : memref<8x!tpu.dma_semaphore, #tpu.memory_space<semaphore_mem>> -> memref<1x!tpu.dma_semaphore, #tpu.memory_space<semaphore_mem>>
    %dma_wait3A_174 = tpu.memref_squeeze %dma_wait3A_173 : memref<1x!tpu.dma_semaphore, #tpu.memory_space<semaphore_mem>> -> memref<!tpu.dma_semaphore, #tpu.memory_space<semaphore_mem>>
    %dma_wait3A_175 = arith.constant 0 : i32
    %dma_wait3A_176 = tpu.memref_slice %arg4[%mul3A_164, %dma_wait3A_175] : memref<819200x128xf32, #tpu.memory_space<hbm>> -> memref<200x64xf32, #tpu.memory_space<hbm>>
    %dma_wait3A_177 = arith.constant 0 : i32
    %dma_wait3A_178 = arith.constant 0 : i32
    %dma_wait3A_179 = tpu.memref_slice %arg6[%dma_wait3A_165, %dma_wait3A_177, %dma_wait3A_178] : memref<8x200x64xf32, #tpu.memory_space<vmem>> -> memref<1x200x64xf32, #tpu.memory_space<vmem>>
    %dma_wait3A_180 = tpu.memref_squeeze %dma_wait3A_179 : memref<1x200x64xf32, #tpu.memory_space<vmem>> -> memref<200x64xf32, #tpu.memory_space<vmem>>
    tpu.wait_dma2 semaphore(%dma_wait3A_174 : memref<!tpu.dma_semaphore, #tpu.memory_space<semaphore_mem>>) src(%dma_wait3A_180 : memref<200x64xf32, #tpu.memory_space<vmem>>) dst(%dma_wait3A_176 : memref<200x64xf32, #tpu.memory_space<hbm>>)
    %add3A_181 = arith.constant 125 : i32
    %add3A_182 = arith.addi %mul3A_2, %add3A_181 : i32
    %mul3A_183 = arith.constant 200 : i32
    %mul3A_184 = arith.muli %add3A_182, %mul3A_183 : i32
    %dma_wait3A_185 = arith.constant 5 : i32
    %dma_wait3A_186 = arith.constant 5 : i32
    %dma_wait3A_187 = arith.constant 0 : i32
    %dma_wait3A_188 = arith.constant 0 : i32
    %dma_wait3A_189 = tpu.memref_slice %arg6[%dma_wait3A_185, %dma_wait3A_187, %dma_wait3A_188] : memref<8x200x64xf32, #tpu.memory_space<vmem>> -> memref<1x200x64xf32, #tpu.memory_space<vmem>>
    %dma_wait3A_190 = tpu.memref_squeeze %dma_wait3A_189 : memref<1x200x64xf32, #tpu.memory_space<vmem>> -> memref<200x64xf32, #tpu.memory_space<vmem>>
    %dma_wait3A_191 = arith.constant 0 : i32
    %dma_wait3A_192 = tpu.memref_slice %arg4[%mul3A_184, %dma_wait3A_191] : memref<819200x128xf32, #tpu.memory_space<hbm>> -> memref<200x64xf32, #tpu.memory_space<hbm>>
    %dma_wait3A_193 = tpu.memref_slice %arg8[%dma_wait3A_186] : memref<8x!tpu.dma_semaphore, #tpu.memory_space<semaphore_mem>> -> memref<1x!tpu.dma_semaphore, #tpu.memory_space<semaphore_mem>>
    %dma_wait3A_194 = tpu.memref_squeeze %dma_wait3A_193 : memref<1x!tpu.dma_semaphore, #tpu.memory_space<semaphore_mem>> -> memref<!tpu.dma_semaphore, #tpu.memory_space<semaphore_mem>>
    %dma_wait3A_195 = arith.constant 0 : i32
    %dma_wait3A_196 = tpu.memref_slice %arg4[%mul3A_184, %dma_wait3A_195] : memref<819200x128xf32, #tpu.memory_space<hbm>> -> memref<200x64xf32, #tpu.memory_space<hbm>>
    %dma_wait3A_197 = arith.constant 0 : i32
    %dma_wait3A_198 = arith.constant 0 : i32
    %dma_wait3A_199 = tpu.memref_slice %arg6[%dma_wait3A_185, %dma_wait3A_197, %dma_wait3A_198] : memref<8x200x64xf32, #tpu.memory_space<vmem>> -> memref<1x200x64xf32, #tpu.memory_space<vmem>>
    %dma_wait3A_200 = tpu.memref_squeeze %dma_wait3A_199 : memref<1x200x64xf32, #tpu.memory_space<vmem>> -> memref<200x64xf32, #tpu.memory_space<vmem>>
    tpu.wait_dma2 semaphore(%dma_wait3A_194 : memref<!tpu.dma_semaphore, #tpu.memory_space<semaphore_mem>>) src(%dma_wait3A_200 : memref<200x64xf32, #tpu.memory_space<vmem>>) dst(%dma_wait3A_196 : memref<200x64xf32, #tpu.memory_space<hbm>>)
    %add3A_201 = arith.constant 126 : i32
    %add3A_202 = arith.addi %mul3A_2, %add3A_201 : i32
    %mul3A_203 = arith.constant 200 : i32
    %mul3A_204 = arith.muli %add3A_202, %mul3A_203 : i32
    %dma_wait3A_205 = arith.constant 6 : i32
    %dma_wait3A_206 = arith.constant 6 : i32
    %dma_wait3A_207 = arith.constant 0 : i32
    %dma_wait3A_208 = arith.constant 0 : i32
    %dma_wait3A_209 = tpu.memref_slice %arg6[%dma_wait3A_205, %dma_wait3A_207, %dma_wait3A_208] : memref<8x200x64xf32, #tpu.memory_space<vmem>> -> memref<1x200x64xf32, #tpu.memory_space<vmem>>
    %dma_wait3A_210 = tpu.memref_squeeze %dma_wait3A_209 : memref<1x200x64xf32, #tpu.memory_space<vmem>> -> memref<200x64xf32, #tpu.memory_space<vmem>>
    %dma_wait3A_211 = arith.constant 0 : i32
    %dma_wait3A_212 = tpu.memref_slice %arg4[%mul3A_204, %dma_wait3A_211] : memref<819200x128xf32, #tpu.memory_space<hbm>> -> memref<200x64xf32, #tpu.memory_space<hbm>>
    %dma_wait3A_213 = tpu.memref_slice %arg8[%dma_wait3A_206] : memref<8x!tpu.dma_semaphore, #tpu.memory_space<semaphore_mem>> -> memref<1x!tpu.dma_semaphore, #tpu.memory_space<semaphore_mem>>
    %dma_wait3A_214 = tpu.memref_squeeze %dma_wait3A_213 : memref<1x!tpu.dma_semaphore, #tpu.memory_space<semaphore_mem>> -> memref<!tpu.dma_semaphore, #tpu.memory_space<semaphore_mem>>
    %dma_wait3A_215 = arith.constant 0 : i32
    %dma_wait3A_216 = tpu.memref_slice %arg4[%mul3A_204, %dma_wait3A_215] : memref<819200x128xf32, #tpu.memory_space<hbm>> -> memref<200x64xf32, #tpu.memory_space<hbm>>
    %dma_wait3A_217 = arith.constant 0 : i32
    %dma_wait3A_218 = arith.constant 0 : i32
    %dma_wait3A_219 = tpu.memref_slice %arg6[%dma_wait3A_205, %dma_wait3A_217, %dma_wait3A_218] : memref<8x200x64xf32, #tpu.memory_space<vmem>> -> memref<1x200x64xf32, #tpu.memory_space<vmem>>
    %dma_wait3A_220 = tpu.memref_squeeze %dma_wait3A_219 : memref<1x200x64xf32, #tpu.memory_space<vmem>> -> memref<200x64xf32, #tpu.memory_space<vmem>>
    tpu.wait_dma2 semaphore(%dma_wait3A_214 : memref<!tpu.dma_semaphore, #tpu.memory_space<semaphore_mem>>) src(%dma_wait3A_220 : memref<200x64xf32, #tpu.memory_space<vmem>>) dst(%dma_wait3A_216 : memref<200x64xf32, #tpu.memory_space<hbm>>)
    %add3A_221 = arith.constant 127 : i32
    %add3A_222 = arith.addi %mul3A_2, %add3A_221 : i32
    %mul3A_223 = arith.constant 200 : i32
    %mul3A_224 = arith.muli %add3A_222, %mul3A_223 : i32
    %dma_wait3A_225 = arith.constant 7 : i32
    %dma_wait3A_226 = arith.constant 7 : i32
    %dma_wait3A_227 = arith.constant 0 : i32
    %dma_wait3A_228 = arith.constant 0 : i32
    %dma_wait3A_229 = tpu.memref_slice %arg6[%dma_wait3A_225, %dma_wait3A_227, %dma_wait3A_228] : memref<8x200x64xf32, #tpu.memory_space<vmem>> -> memref<1x200x64xf32, #tpu.memory_space<vmem>>
    %dma_wait3A_230 = tpu.memref_squeeze %dma_wait3A_229 : memref<1x200x64xf32, #tpu.memory_space<vmem>> -> memref<200x64xf32, #tpu.memory_space<vmem>>
    %dma_wait3A_231 = arith.constant 0 : i32
    %dma_wait3A_232 = tpu.memref_slice %arg4[%mul3A_224, %dma_wait3A_231] : memref<819200x128xf32, #tpu.memory_space<hbm>> -> memref<200x64xf32, #tpu.memory_space<hbm>>
    %dma_wait3A_233 = tpu.memref_slice %arg8[%dma_wait3A_226] : memref<8x!tpu.dma_semaphore, #tpu.memory_space<semaphore_mem>> -> memref<1x!tpu.dma_semaphore, #tpu.memory_space<semaphore_mem>>
    %dma_wait3A_234 = tpu.memref_squeeze %dma_wait3A_233 : memref<1x!tpu.dma_semaphore, #tpu.memory_space<semaphore_mem>> -> memref<!tpu.dma_semaphore, #tpu.memory_space<semaphore_mem>>
    %dma_wait3A_235 = arith.constant 0 : i32
    %dma_wait3A_236 = tpu.memref_slice %arg4[%mul3A_224, %dma_wait3A_235] : memref<819200x128xf32, #tpu.memory_space<hbm>> -> memref<200x64xf32, #tpu.memory_space<hbm>>
    %dma_wait3A_237 = arith.constant 0 : i32
    %dma_wait3A_238 = arith.constant 0 : i32
    %dma_wait3A_239 = tpu.memref_slice %arg6[%dma_wait3A_225, %dma_wait3A_237, %dma_wait3A_238] : memref<8x200x64xf32, #tpu.memory_space<vmem>> -> memref<1x200x64xf32, #tpu.memory_space<vmem>>
    %dma_wait3A_240 = tpu.memref_squeeze %dma_wait3A_239 : memref<1x200x64xf32, #tpu.memory_space<vmem>> -> memref<200x64xf32, #tpu.memory_space<vmem>>
    tpu.wait_dma2 semaphore(%dma_wait3A_234 : memref<!tpu.dma_semaphore, #tpu.memory_space<semaphore_mem>>) src(%dma_wait3A_240 : memref<200x64xf32, #tpu.memory_space<vmem>>) dst(%dma_wait3A_236 : memref<200x64xf32, #tpu.memory_space<hbm>>)
    return
  }
}

</mosaic_0001>

<sc_bundles>
// kernel: kernel.3.cloned.1.call-start
scs
__scs_entry_jumppad:
0x0: {  	(pc) =	sbr.rel $0x88, $3  }
0x1: {  	(tag) =	ssettag $0x0;
	lr =	simm.s32 $0x1  }
0x2: {  	[smem:$0x3F9F] =	sst lr;
	_ =	strace $0xD0000000  }
0x3: {  	_ = 	snop  }
0x4: {  	_ = 	snop  }
0x5: {  	_ = 	snop  }
0x6: {  	_ = 	snop  }
0x7: {  	_ = 	snop  }
__scs_overlays_trampoline_lowered:
0x8: {  	[smem:$0x3FAE] =	sst s0  }
0x9: {  	[smem:$0x3FAF] =	sst s1  }
0xa: {  	[smem:$0x3FB0] =	sst s2  }
0xb: {  	[smem:$0x3FB1] =	sst s3  }
0xc: {  	[smem:$0x3FB2] =	sst s4  }
0xd: {  	[smem:$0x3FB3] =	sst s5  }
0xe: {  	[smem:$0x3FB4] =	sst s6  }
0xf: {  	[smem:$0x3FB5] =	sst s7  }
0x10: {  	[smem:$0x3FB6] =	sst s8  }
0x11: {  	[smem:$0x3FB7] =	sst s9;
	s0 =	simm.s32 @!p0 $0x0  }
0x12: {  	s1 =	sld [smem:$0x3F9D];
	s0 =	simm.s32 @p0 $0x1  }
0x13: {  	[smem:$0x3FB8] =	sst s0;
	s0 =	simm.s32 @!p1 $0x0  }
0x14: {  	s2 =	sld [smem:$0x3F9C];
	s0 =	simm.s32 @p1 $0x1  }
0x15: {  	[smem:$0x3FB9] =	sst s0;
	s0 =	simm.s32 @!p2 $0x0  }
0x16: {  	s3 =	sld [smem:$0x3FDB];
	s0 =	simm.s32 @p2 $0x1  }
0x17: {  	s4 =	simm.s32 $0x1BF5;
	[smem:$0x3FBB] =	sst s0  }
0x18: {  	s0 =	sld [smem:$0x3F9E];
	_ =	swait.ge [sflag:s4], $0x0  }
0x19: {  	s7 =	sld [smem:$0x3F9F]  }
0x1a: {  	s8 =	sadd.s32 $0xFFFFE003, lr  }
0x1b: {  	s9 =	sadd.s32 $0xFFFFFEF7, lr;
	s5 =	simm.s32 $0xFFFFFFFF;
	p2 =	slt.u32 s8, $0xFFFFF086  }
0x1c: {  	p1 =	slt.u32 s9, $0xF7A;
	s5 =	simm.s32 @!p2 $0x0  }
0x1d: {  	s5 =	simm.s32 @p1 $0x1;
	p0 =	seq.s32 s7, s2  }
0x1e: {  	s7 =	smul.u32 @!p0 $0xF7A, s2;
	p2 =	seq.s32 @!p0 s5, $0x0  }
0x1f: {  	s9 =	smul.u32 $0xF7A, s1;
	s8 =	simm.s32 @!p0 $0x1BF5;
	p2 =	por !p2, p0  }
0x20: {  	[sflag:s8] =	ssyncset.s32 @!p0 $0xFFFFF086;
	s6 =	sadd.s32 @!p0 s3, s7;
	s7 =	simm.s32 @!p0 $0x108  }
0x21: {  	s3 =	sadd.s32 s3, s9;
	s6 =	sadd.s32 @!p0 $0x88, s6;
	s7 =	simm.s32 @p2 $0x1082  }
0x22: {  	[simem:s7], [sflag:s8] =	dma.local @!p0 [hbm:s6], $0xF7A  }
0x23: {  	s9 =	sor.u32 $0xD0000000, s2;
	s6 =	simm.s32 $0x108;
	_ =	swait.ge @!p0 [sflag:s8], $0x0  }
0x24: {  	s3 =	sadd.s32 $0x88, s3;
	s6 =	simm.s32 @!p1 $0x1082;
	[sflag:s4] =	ssyncset.s32 $0xFFFFF086  }
0x25: {  	[simem:s6], [sflag:s4] =	dma.local [hbm:s3], $0xF7A  }
0x26: {  	[smem:$0x3F9F] =	sst s1;
	(tag) =	ssettag s2;
	_ =	strace s9  }
0x27: {  	s1 =	sld [smem:$0x3FAF]  }
0x28: {  	s2 =	sld [smem:$0x3FB0]  }
0x29: {  	s4 =	sld [smem:$0x3FB2]  }
0x2a: {  	p0 =	seq.s32 s5, $0x0;
	s5 =	sld [smem:$0x3FB3]  }
0x2b: {  	s6 =	sld [smem:$0x3FB4]  }
0x2c: {  	s7 =	sld [smem:$0x3FB5]  }
0x2d: {  	s3 =	simm.s32 $0x108;
	s8 =	sld [smem:$0x3FB6]  }
0x2e: {  	s3 =	simm.s32 @!p0 $0x1082;
	s9 =	sld [smem:$0x3FB7]  }
0x2f: {  	lr =	sadd.s32 s0, s3;
	s0 =	sld [smem:$0x3FAE]  }
0x30: {  	s3 =	sld [smem:$0x3FB1]  }
0x31: {  	[smem:$0x3FBA] =	sst s10  }
0x32: {  	s10 =	sld [smem:$0x3FB8];
	_ =	sdelay $0x3  }
0x33: {  	p0 =	seq.s32 s10, $0x1;
	s10 =	sld [smem:$0x3FBA];
	_ =	sdelay $0x3  }
0x34: {  	[smem:$0x3FBA] =	sst s10  }
0x35: {  	s10 =	sld [smem:$0x3FB9];
	_ =	sdelay $0x3  }
0x36: {  	p1 =	seq.s32 s10, $0x1;
	s10 =	sld [smem:$0x3FBA];
	_ =	sdelay $0x3  }
0x37: {  	[smem:$0x3FBA] =	sst s10  }
0x38: {  	s10 =	sld [smem:$0x3FBB]  }
0x39: {  	_ = 	snop;
	(pc) =	sbr.ind lr, $3  }
0x3a: {  	_ = 	snop  }
0x3b: {  	_ = 	snop  }
0x3c: {  	p2 =	seq.s32 s10, $0x1;
	s10 =	sld [smem:$0x3FBA]  }
0x3d: {  	_ =	shalt  }
0x3e: {  	_ =	shalt  }
0x3f: {  	_ =	shalt  }
0x40: {  	_ =	shalt  }
0x41: {  	_ =	shalt  }
0x42: {  	_ =	shalt  }
0x43: {  	_ =	shalt  }
0x44: {  	_ =	shalt  }
0x45: {  	_ =	shalt  }
0x46: {  	_ =	shalt  }
0x47: {  	_ =	shalt  }
0x48: {  	_ =	shalt  }
0x49: {  	_ =	shalt  }
0x4a: {  	_ =	shalt  }
0x4b: {  	_ =	shalt  }
0x4c: {  	_ =	shalt  }
0x4d: {  	_ =	shalt  }
0x4e: {  	_ =	shalt  }
0x4f: {  	_ =	shalt  }
0x50: {  	_ =	shalt  }
0x51: {  	_ =	shalt  }
0x52: {  	_ =	shalt  }
0x53: {  	_ =	shalt  }
0x54: {  	_ =	shalt  }
0x55: {  	_ =	shalt  }
0x56: {  	_ =	shalt  }
0x57: {  	_ =	shalt  }
0x58: {  	_ =	shalt  }
0x59: {  	_ =	shalt  }
0x5a: {  	_ =	shalt  }
0x5b: {  	_ =	shalt  }
0x5c: {  	_ =	shalt  }
0x5d: {  	_ =	shalt  }
0x5e: {  	_ =	shalt  }
0x5f: {  	_ =	shalt  }
0x60: {  	_ =	shalt  }
0x61: {  	_ =	shalt  }
0x62: {  	_ =	shalt  }
0x63: {  	_ =	shalt  }
0x64: {  	_ =	shalt  }
0x65: {  	_ =	shalt  }
0x66: {  	_ =	shalt  }
0x67: {  	_ =	shalt  }
0x68: {  	_ =	shalt  }
0x69: {  	_ =	shalt  }
0x6a: {  	_ =	shalt  }
0x6b: {  	_ =	shalt  }
0x6c: {  	_ =	shalt  }
0x6d: {  	_ =	shalt  }
0x6e: {  	_ =	shalt  }
0x6f: {  	_ =	shalt  }
0x70: {  	_ =	shalt  }
0x71: {  	_ =	shalt  }
0x72: {  	_ =	shalt  }
0x73: {  	_ =	shalt  }
0x74: {  	_ =	shalt  }
0x75: {  	_ =	shalt  }
0x76: {  	_ =	shalt  }
0x77: {  	_ =	shalt  }
0x78: {  	_ =	shalt  }
0x79: {  	_ =	shalt  }
0x7a: {  	_ =	shalt  }
0x7b: {  	_ =	shalt  }
0x7c: {  	_ =	shalt  }
0x7d: {  	_ =	shalt  }
0x7e: {  	_ =	shalt  }
0x7f: {  	_ =	shalt  }
0x80: {  	_ =	shalt  }
0x81: {  	_ =	shalt  }
0x82: {  	_ =	shalt  }
0x83: {  	_ =	shalt  }
0x84: {  	_ =	shalt  }
0x85: {  	_ =	shalt  }
0x86: {  	_ =	shalt  }
0x87: {  	_ =	shalt  }
.Lfunc_end0:
.L_simem_size_0:
called_computation.2_lowered:
.L_overlay_start_0:
0x88: {  	s2 =	sld [smem:$0x3FD9]  }
0x89: {  	s3 =	sld [smem:$0x3FFE];
	_ =	sdelay $0x1  }
0x8a: {  	s1 =	srdreg.scid  }
0x8b: {  	s0 =	sand.u32 $0x1, s1  }
0x8c: {  	s17 =	sshll.u32 s0, $0xA;
	s2 =	sadd.s32 s3, s2  }
0x8d: {  	s2 =	sadd.s32 s2, s17  }
0x8e: {  	[smem:$0x3FC6] =	sst s2  }
0x8f: {  	_ = 	snop  }
0x90: {  	s2 =	sld [smem:$0x3FD0];
	(tm) =	ssettm $0x1  }
0x91: {  	s18 =	sld [smem:$0x3FFB];
	_ =	sdelay $0x3  }
0x92: {  	_ =	strace s18  }
0x93: {  	s3 =	sld [smem:$0x3FFC];
	_ =	sdelay $0x3  }
0x94: {  	_ =	strace s3  }
0x95: {  	s3 =	sld [smem:$0x3FFD];
	_ =	sdelay $0x3  }
0x96: {  	_ =	strace s3  }
0x97: {  	_ =	strace $0x8FFFFFFF  }
0x98: {  	s19 =	sld [smem:$0x3FDB];
	_ =	sdelay $0x1  }
0x99: {  	s4 =	simm.s32 $_scs_section_size  }
0x9a: {  	s5 =	simm.s32 $_size__tile_overlayer_lowered;
	s6 =	simm.s32 $_tile_overlayer_lowered  }
0x9b: {  	s22 =	simm.s32 $0x1BFF;
	s21 =	sshll.u32 s6, $0x1;
	s3 =	sadd.s32 s4, s19  }
0x9c: {  	s7 =	simm.s32 $0x0;
	s20 =	sshll.u32 s5, $0x1;
	s5 =	sadd.s32 s21, s3  }
0x9d: {  	[timem:s7], [sflag:s22] =	dma.local [hbm:s5], s20  }
0x9e: {  	_ =	swait.ge [sflag:s22], s20  }
0x9f: {  	s4 =	ssub.s32 $0x0, s20;
	[sflag:s22] =	ssyncset.done $0x0  }
0xa0: {  	[sflag:s22] =	ssyncadd.s32 s4;
	_ =	sdelay $0x1  }
0xa1: {  	s23 =	simm.s32 $0x1B8B  }
0xa2: {  	_ =	swait.ge [sflag:s23], $0x1  }
0xa3: {  	[sflag:s23] =	ssyncset.done $0x0  }
0xa4: {  	s25 =	simm.s32 $0x1B8E;
	s24 =	sld [smem:$0x3FFE];
	[sflag:s23] =	ssyncadd.s32 $0xFFFFFFFF  }
0xa5: {  	s26 =	simm.s32 $execute0_lowered;
	[smem:$0x3FD2] =	sst s25  }
0xa6: {  	s5 =	sshll.u32 s26, $0x1;
	_ =	strace $0x80000049;
	[dreg:$0x1] =	wrdreg $0xFFFFFFFF  }
0xa7: {  	s28 =	simm.s32 $_size_execute0_lowered;
	s3 =	sadd.s32 s3, s5;
	[dreg:$0x0] =	wrdreg $0x0  }
0xa8: {  	s5 =	sshll.u32 s28, $0x1;
	[dreg:$0x2] =	wrdreg s3  }
0xa9: {  	[dreg:$0x3] =	wrdreg s5  }
0xaa: {  	[dreg:$0x4] =	wrdreg $0xC0  }
0xab: {  	_ =	task [dreg:s7], $0x5FFFF  }
0xac: {  	[dreg:$0x1] =	wrdreg $0xFFFFFFFF  }
0xad: {  	[dreg:$0x0] =	wrdreg $0x60  }
0xae: {  	[dreg:$0x2] =	wrdreg s2  }
0xaf: {  	[dreg:$0x3] =	wrdreg s24  }
0xb0: {  	[dreg:$0x4] =	wrdreg $0x9  }
0xb1: {  	_ =	task.clear_ibuf [dreg:s7], $0x5FFFF;
	_ =	strace $0x90000049  }
0xb2: {  	s29 =	simm.s32 $0x9;
	_ =	strace $0x8000004B  }
0xb3: {  	_ =	swait.ge [sflag:s29], $0x1  }
0xb4: {  	[sflag:s29] =	ssyncadd.s32 $0xFFFFFFFF  }
0xb5: {  	_ =	strace $0x9000004B  }
0xb6: {  	_ =	sfence  }
0xb7: {  	s30 =	sld [smem:$0x0];
	_ =	sdelay $0x2  }
0xb8: {  	s31 =	sshll.u32 s1, $0xD;
	s1 =	sshrl.u32 s1, $0x2  }
0xb9: {  	s3 =	sand.u32 $0x4000, s31;
	s1 =	sadd.s32 s1, s30  }
0xba: {  	s0 =	sor.u32 s3, s0;
	s1 =	sshll.u32 s1, $0x11  }
0xbb: {  	s0 =	sor.u32 s1, s0  }
0xbc: {  	s0 =	sadd.s32 $0x8F2B, s0  }
0xbd: {  	[sflag:s0] =	ssyncadd.remote.s32 $0x1  }
0xbe: {  	_ =	sfence.sel $0xFFFF  }
0xbf: {  	[dreg:$0x0] =	wrdreg $0xFFFFFFFF;
	(pc) =	sbr.abs _section_cstart, $3  }
0xc0: {  	[dreg:$0x1] =	wrdreg $0xFFFFFFFF  }
0xc1: {  	_ =	task.clear_ibuf [dreg:s7], $0x2FFFF;
	_ =	strace $0x9FFFFFFF  }
0xc2: {  	(tm) =	ssettm $0x7FFFFFFF  }
0xc3: {  	_ =	shalt  }
tec
execute0_lowered:
.L_overlay_start_1:
0x0: {  	(tag) =	ssettag $0x1  }
0x1: {  	s0 =	rddreg [dreg:$0x0]  }
0x2: {  	s1 =	rddreg [dreg:$0x1]  }
0x3: {  	s2 =	srdreg.scid;
	s8 =	stileid.u32;
	s5 =	simm.s32 $0x0  }
0x4: {  	s10 =	simm.s32 $0xC8;
	s11 =	simm.s32 $0x6400;
	s12 =	simm.s32 $0x9600  }
0x5: {  	s14 =	simm.s32 $0xC800;
	s16 =	simm.s32 $0xFA00;
	s18 =	simm.s32 $0x12C00  }
0x6: {  	s19 =	simm.s32 $0x1;
	s20 =	simm.s32 $0x40;
	s21 =	simm.s32 $0x80  }
0x7: {  	s28 =	simm.s32 $0x4;
	s29 =	simm.s32 $0x5;
	s30 =	simm.s32 $0x7  }
0x8: {  	s31 =	simm.s32 $0x8;
	s15 =	simm.s32 $0xC;
	s17 =	simm.s32 $0xD  }
0x9: {  	s2 =	sand.u32 $0x1, s2;
	s3 =	sshll.u32 s8, $0x8;
	[smem:$0x7FF] =	sst s5  }
0xa: {  	s23 =	smul.u32 $0xC8000, s8;
	s4 =	sshll.u32 s2, $0x7;
	_ =	strace $0x8000004A  }
0xb: {  	s22 =	ssub.s32 $0x2, s2;
	s2 =	smul.u32 $0x64000, s2;
	s4 =	sor.u32 s4, s3  }
0xc: {  	s3 =	sadd.s32 $0xF43200, s1;
	s7 =	sshrl.u32 s22, $0x1;
	s6 =	smul.u32 $0x19, s4  }
0xd: {  	s1 =	sadd.s32 $0xE00, s1;
	s4 =	smul.u32 $0xC80, s4;
	s5 =	ssub.s32 s22, s7  }
0xe: {  	s22 =	simm.s32 $0x15E00;
	s25 =	smax.u32 s5, $0x1;
	s0 =	sadd.s32 s0, s6  }
.Ltmp0:
0xf: {  	s24 =	sadd.s32 s1, s4;
	[dreg:$0x4] =	wrdreg s25;
	(pc) =	sbr.rel .LBB2_1-.Ltmp0, $4  }
0x10: {  	s1 =	sadd.s32 s23, s1;
	s23 =	simm.s32 $0x2;
	s25 =	simm.s32 $0x3  }
0x11: {  	[dreg:$0x3] =	wrdreg s0;
	s6 =	sadd.s32 $0x61A80, s24;
	s0 =	sadd.s32 $0x63380, s24  }
0x12: {  	s26 =	sadd.s32 s2, s1;
	s24 =	simm.s32 $0x19000;
	[dreg:$0x5] =	wrdreg s0  }
0x13: {  	s2 =	simm.s32 $0x0;
	[dreg:$0x6] =	wrdreg s26;
	s26 =	simm.s32 $0x1C200  }
.LBB2_4:
0x14: {  	_ =	swait.ge [sflag:s31], $0x3200  }
0x15: {  	[sflag:s31] =	ssyncset.done $0x0  }
0x16: {  	s4 =	simm.s32 $0x9;
	s0 =	rddreg [dreg:$0x5];
	[sflag:s31] =	ssyncadd.s32 $0xFFFFCE00  }
0x17: {  	[hbm4b:s0+s20] =	stream.strided.scatter [tilespmem:s26], [sflag:$0x10], $0x3200, s21, s20, $0x38;
	[tilespmem:$0x1F400] =	vst v63  }
0x18: {  	_ =	swait.ge [sflag:s4], $0x3200  }
0x19: {  	[sflag:s4] =	ssyncset.done $0x0  }
0x1a: {  	s5 =	simm.s32 $0xA;
	[sflag:s4] =	ssyncadd.s32 $0xFFFFCE00  }
0x1b: {  	_ =	swait.ge [sflag:s5], $0x3200  }
0x1c: {  	[sflag:s5] =	ssyncset.done $0x0  }
0x1d: {  	s7 =	simm.s32 $0xB;
	[sflag:s5] =	ssyncadd.s32 $0xFFFFCE00  }
0x1e: {  	_ =	swait.ge [sflag:s7], $0x3200  }
0x1f: {  	[sflag:s7] =	ssyncset.done $0x0  }
0x20: {  	[sflag:s7] =	ssyncadd.s32 $0xFFFFCE00  }
0x21: {  	_ =	swait.ge [sflag:s15], $0x3200  }
0x22: {  	[sflag:s15] =	ssyncset.done $0x0  }
0x23: {  	[sflag:s15] =	ssyncadd.s32 $0xFFFFCE00  }
0x24: {  	_ =	swait.ge [sflag:s17], $0x3200  }
0x25: {  	[sflag:s17] =	ssyncset.done $0x0  }
0x26: {  	s8 =	simm.s32 $0xE;
	[sflag:s17] =	ssyncadd.s32 $0xFFFFCE00  }
0x27: {  	_ =	swait.ge [sflag:s8], $0x3200  }
0x28: {  	[sflag:s8] =	ssyncset.done $0x0  }
0x29: {  	s9 =	simm.s32 $0xF;
	[sflag:s8] =	ssyncadd.s32 $0xFFFFCE00  }
0x2a: {  	_ =	swait.ge [sflag:s9], $0x3200  }
0x2b: {  	[sflag:s9] =	ssyncset.done $0x0  }
0x2c: {  	s1 =	simm.s32 $0x10;
	[sflag:s9] =	ssyncadd.s32 $0xFFFFCE00  }
0x2d: {  	_ =	swait.ge [sflag:s1], $0x3200  }
0x2e: {  	s2 =	rddreg [dreg:$0x7]  }
0x2f: {  	s13 =	rddreg [dreg:$0x4];
	s2 =	sadd.s32 $0x1, s2  }
0x30: {  	p0 =	sne.s32 s2, s13  }
.Ltmp1:
0x31: {  	_ = 	snop;
	(pc) =	sbr.rel @!p0 .LBB2_5-.Ltmp1, $3  }
0x32: {  	_ =	sdelay $0x1  }
0x33: {  	[sflag:s1] =	ssyncset.done $0x0  }
0x34: {  	[sflag:s1] =	ssyncadd.s32 $0xFFFFCE00  }
.LBB2_1:
0x35: {  	[dreg:$0x7] =	wrdreg s2  }
0x36: {  	s0 =	simm.s32 $0x0;
	s1 =	rddreg [dreg:$0x3];
	s7 =	simm.s32 $0x11  }
0x37: {  	[tilespmem:s0], [sflag:$0x11] =	stream.linear.gather [hbm4b:s1+s0], $0x6400, $0x38;
	[tilespmem:$0x1F400] =	vst v63  }
0x38: {  	_ =	swait.ge [sflag:s7], $0x6400  }
0x39: {  	[sflag:s7] =	ssyncset.done $0x0  }
0x3a: {  	[sflag:s7] =	ssyncadd.s32 $0xFFFF9C00  }
0x3b: {  	[tilespmem:s11], [sflag:$0x1] =	stream.indirect.gather [hbm4b:s3+s10], $0x40, s0, s10, $0xb8;
	[tilespmem:$0x1F400] =	vst v63  }
0x3c: {  	_ = 	snop  }
0x3d: {  	[tilespmem:s12], [sflag:$0x2] =	stream.indirect.gather [hbm4b:s3+s10], $0x40, s10, s10, $0xb8;
	[tilespmem:$0x1F400] =	vst v63  }
0x3e: {  	s8 =	simm.s32 $0x190  }
0x3f: {  	[tilespmem:s14], [sflag:$0x3] =	stream.indirect.gather [hbm4b:s3+s10], $0x40, s8, s10, $0xb8;
	[tilespmem:$0x1F400] =	vst v63  }
0x40: {  	s9 =	simm.s32 $0x258  }
0x41: {  	[tilespmem:s16], [sflag:$0x4] =	stream.indirect.gather [hbm4b:s3+s10], $0x40, s9, s10, $0xb8;
	[tilespmem:$0x1F400] =	vst v63  }
0x42: {  	s13 =	simm.s32 $0x320;
	s8 =	rddreg [dreg:$0x6];
	s9 =	simm.s32 $0x0  }
0x43: {  	[tilespmem:s18], [sflag:$0x5] =	stream.indirect.gather [hbm4b:s3+s10], $0x40, s13, s10, $0xb8;
	[tilespmem:$0x1F400] =	vst v63  }
.LBB2_2:
0x44: {  	_ =	swait.ge [sflag:s19], $0x3200  }
0x45: {  	p0 =	seq.s32 s9, $0x0;
	[sflag:s19] =	ssyncset.done $0x0  }
0x46: {  	s1 =	simm.s32 @!p0 $0xE;
	[sflag:s19] =	ssyncadd.s32 $0xFFFFCE00  }
0x47: {  	[hbm4b:s8+s20] =	stream.strided.scatter [tilespmem:s11], [sflag:$0x9], $0x3200, s21, s20, $0x38;
	[tilespmem:$0x1F400] =	vst v63  }
0x48: {  	_ =	swait.ge @!p0 [sflag:s1], $0x3200  }
0x49: {  	s0 =	sshra.s32 s9, $0x2;
	[sflag:s1] =	ssyncset.done @!p0 $0x0  }
0x4a: {  	s5 =	sadd.s32 $0x3E8, s0;
	[sflag:s1] =	ssyncadd.s32 @!p0 $0xFFFFCE00  }
0x4b: {  	[tilespmem:s22], [sflag:$0x6] =	stream.indirect.gather [hbm4b:s3+s10], $0x40, s5, s10, $0xb8;
	[tilespmem:$0x1F400] =	vst v63  }
0x4c: {  	_ =	swait.ge [sflag:s23], $0x3200  }
0x4d: {  	[sflag:s23] =	ssyncset.done $0x0  }
0x4e: {  	s7 =	sadd.s32 $0xC80, s8;
	s1 =	simm.s32 @!p0 $0xF;
	[sflag:s23] =	ssyncadd.s32 $0xFFFFCE00  }
0x4f: {  	[hbm4b:s7+s20] =	stream.strided.scatter [tilespmem:s12], [sflag:$0xA], $0x3200, s21, s20, $0x38;
	[tilespmem:$0x1F400] =	vst v63  }
0x50: {  	_ =	swait.ge @!p0 [sflag:s1], $0x3200  }
0x51: {  	[sflag:s1] =	ssyncset.done @!p0 $0x0  }
0x52: {  	s13 =	sadd.s32 $0x4B0, s0;
	[sflag:s1] =	ssyncadd.s32 @!p0 $0xFFFFCE00  }
0x53: {  	[tilespmem:s24], [sflag:$0x7] =	stream.indirect.gather [hbm4b:s3+s10], $0x40, s13, s10, $0xb8;
	[tilespmem:$0x1F400] =	vst v63  }
0x54: {  	_ =	swait.ge [sflag:s25], $0x3200  }
0x55: {  	[sflag:s25] =	ssyncset.done $0x0  }
0x56: {  	s2 =	sadd.s32 $0x1900, s8;
	s1 =	simm.s32 @!p0 $0x10;
	[sflag:s25] =	ssyncadd.s32 $0xFFFFCE00  }
0x57: {  	[hbm4b:s2+s20] =	stream.strided.scatter [tilespmem:s14], [sflag:$0xB], $0x3200, s21, s20, $0x38;
	[tilespmem:$0x1F400] =	vst v63  }
0x58: {  	_ =	swait.ge @!p0 [sflag:s1], $0x3200  }
0x59: {  	[sflag:s1] =	ssyncset.done @!p0 $0x0  }
0x5a: {  	s4 =	sadd.s32 $0x578, s0;
	[sflag:s1] =	ssyncadd.s32 @!p0 $0xFFFFCE00  }
0x5b: {  	[tilespmem:s26], [sflag:$0x8] =	stream.indirect.gather [hbm4b:s3+s10], $0x40, s4, s10, $0xb8;
	[tilespmem:$0x1F400] =	vst v63  }
0x5c: {  	_ =	swait.ge [sflag:s28], $0x3200  }
0x5d: {  	p0 =	seq.s32 s9, $0x17700;
	[sflag:s28] =	ssyncset.done $0x0  }
0x5e: {  	s5 =	sadd.s32 $0x2580, s8;
	s1 =	simm.s32 @!p0 $0x9;
	[sflag:s28] =	ssyncadd.s32 $0xFFFFCE00  }
0x5f: {  	[hbm4b:s5+s20] =	stream.strided.scatter [tilespmem:s16], [sflag:$0xC], $0x3200, s21, s20, $0x38;
	[tilespmem:$0x1F400] =	vst v63  }
0x60: {  	_ =	swait.ge @!p0 [sflag:s1], $0x3200  }
0x61: {  	[sflag:s1] =	ssyncset.done @!p0 $0x0  }
0x62: {  	[sflag:s1] =	ssyncadd.s32 @!p0 $0xFFFFCE00;
	s1 =	sshra.s32 @!p0 s9, $0x2  }
0x63: {  	s2 =	simm.s32 @!p0 $0xC8;
	s4 =	simm.s32 @!p0 $0x6400;
	s13 =	sadd.s32 @!p0 $0x640, s1  }
0x64: {  	[tilespmem:s4], [sflag:$0x1] =	stream.indirect.gather @!p0 [hbm4b:s3+s2], $0x40, s13, s2, $0xb8;
	[tilespmem:$0x1F400] =	vst v63  }
0x65: {  	_ =	swait.ge [sflag:s29], $0x3200  }
0x66: {  	[sflag:s29] =	ssyncset.done $0x0  }
0x67: {  	s7 =	sadd.s32 $0x3200, s8;
	s4 =	simm.s32 @p0 $0x6;
	[sflag:s29] =	ssyncadd.s32 $0xFFFFCE00  }
0x68: {  	[hbm4b:s7+s20] =	stream.strided.scatter [tilespmem:s18], [sflag:$0xD], $0x3200, s21, s20, $0x38;
	[tilespmem:$0x1F400] =	vst v63  }
0x69: {  	_ =	swait.ge @p0 [sflag:s4], $0x3200  }
0x6a: {  	s5 =	simm.s32 @p0 $0x15E00;
	[sflag:s4] =	ssyncset.done @p0 $0x0  }
0x6b: {  	s13 =	simm.s32 @p0 $0x80;
	[sflag:s4] =	ssyncadd.s32 @p0 $0xFFFFCE00;
	s4 =	simm.s32 @p0 $0x40  }
0x6c: {  	[hbm4b:s6+s4] =	stream.strided.scatter @p0 [tilespmem:s5], [sflag:$0xE], $0x3200, s13, s4, $0x38;
	[tilespmem:$0x1F400] =	vst v63  }
0x6d: {  	s4 =	simm.s32 @!p0 $0xA  }
0x6e: {  	_ =	swait.ge @!p0 [sflag:s4], $0x3200  }
0x6f: {  	[sflag:s4] =	ssyncset.done @!p0 $0x0  }
0x70: {  	s5 =	simm.s32 @!p0 $0x9600;
	[sflag:s4] =	ssyncadd.s32 @!p0 $0xFFFFCE00;
	s4 =	sadd.s32 @!p0 $0x708, s1  }
0x71: {  	[tilespmem:s5], [sflag:$0x2] =	stream.indirect.gather @!p0 [hbm4b:s3+s2], $0x40, s4, s2, $0xb8;
	[tilespmem:$0x1F400] =	vst v63  }
0x72: {  	s4 =	simm.s32 @!p0 $0x6  }
0x73: {  	_ =	swait.ge @!p0 [sflag:s4], $0x3200  }
0x74: {  	s7 =	simm.s32 @!p0 $0x15E00;
	s13 =	simm.s32 @!p0 $0x80;
	[sflag:s4] =	ssyncset.done @!p0 $0x0  }
0x75: {  	s5 =	simm.s32 @!p0 $0x40;
	[sflag:s4] =	ssyncadd.s32 @!p0 $0xFFFFCE00;
	s4 =	sadd.s32 @!p0 $0x3E80, s8  }
0x76: {  	[hbm4b:s4+s5] =	stream.strided.scatter @!p0 [tilespmem:s7], [sflag:$0xE], $0x3200, s13, s5, $0x38;
	[tilespmem:$0x1F400] =	vst v63  }
0x77: {  	s4 =	simm.s32 @!p0 $0xB  }
0x78: {  	_ =	swait.ge @!p0 [sflag:s4], $0x3200  }
0x79: {  	[sflag:s4] =	ssyncset.done @!p0 $0x0  }
0x7a: {  	s1 =	sadd.s32 @!p0 $0x7D0, s1;
	[sflag:s4] =	ssyncadd.s32 @!p0 $0xFFFFCE00;
	s4 =	simm.s32 @!p0 $0xC800  }
0x7b: {  	[tilespmem:s4], [sflag:$0x3] =	stream.indirect.gather @!p0 [hbm4b:s3+s2], $0x40, s1, s2, $0xb8;
	[tilespmem:$0x1F400] =	vst v63  }
.Ltmp2:
0x7c: {  	_ = 	snop;
	(pc) =	sbr.rel @p0 .LBB2_4-.Ltmp2, $4  }
0x7d: {  	_ =	swait.ge [sflag:s30], $0x3200  }
0x7e: {  	[sflag:s30] =	ssyncset.done $0x0  }
0x7f: {  	s13 =	sadd.s32 $0x4B00, s8;
	[sflag:s30] =	ssyncadd.s32 $0xFFFFCE00  }
0x80: {  	[hbm4b:s13+s20] =	stream.strided.scatter [tilespmem:s24], [sflag:$0xF], $0x3200, s21, s20, $0x38;
	[tilespmem:$0x1F400] =	vst v63  }
0x81: {  	_ =	swait.ge [sflag:s15], $0x3200  }
0x82: {  	[sflag:s15] =	ssyncset.done $0x0  }
0x83: {  	s1 =	sadd.s32 $0x898, s0;
	[sflag:s15] =	ssyncadd.s32 $0xFFFFCE00  }
0x84: {  	[tilespmem:s16], [sflag:$0x4] =	stream.indirect.gather [hbm4b:s3+s10], $0x40, s1, s10, $0xb8;
	[tilespmem:$0x1F400] =	vst v63  }
0x85: {  	_ =	swait.ge [sflag:s31], $0x3200  }
0x86: {  	[sflag:s31] =	ssyncset.done $0x0  }
0x87: {  	s7 =	sadd.s32 $0x5780, s8;
	[sflag:s31] =	ssyncadd.s32 $0xFFFFCE00  }
0x88: {  	[hbm4b:s7+s20] =	stream.strided.scatter [tilespmem:s26], [sflag:$0x10], $0x3200, s21, s20, $0x38;
	[tilespmem:$0x1F400] =	vst v63  }
.Ltmp3:
0x89: {  	_ = 	snop;
	(pc) =	sbr.rel .LBB2_2-.Ltmp3, $4  }
0x8a: {  	_ =	swait.ge [sflag:s17], $0x3200  }
0x8b: {  	s13 =	sadd.s32 $0x960, s0;
	[sflag:s17] =	ssyncset.done $0x0  }
0x8c: {  	s9 =	sadd.s32 $0x1900, s9;
	s8 =	sadd.s32 $0x6400, s8;
	[sflag:s17] =	ssyncadd.s32 $0xFFFFCE00  }
0x8d: {  	[tilespmem:s18], [sflag:$0x5] =	stream.indirect.gather [hbm4b:s3+s10], $0x40, s13, s10, $0xb8;
	[tilespmem:$0x1F400] =	vst v63  }
.LBB2_5:
0x8e: {  	_ =	sfence.sel $0x180000  }
0x8f: {  	[bflag:$0x0] =	sbarrier.arrive $0xFFFF  }
0x90: {  	_ =	strace $0x9000004A  }
0x91: {  	s0 =	stileid.u32;
	[bflag:$0x2] =	sbarrier.arrive $0xFFFF  }
0x92: {  	p0 =	sne.s32 s0, $0x0;
	s0 =	rddreg [dreg:$0x2]  }
0x93: {  	s0 =	sadd.s32 @!p0 $0x100000, s0  }
0x94: {  	[sflag:s0] =	ssyncadd.tile.s32 @!p0 $0x1;
	_ =	shalt  }
.Lfunc_end2:
_tile_overlayer_lowered:
.L_overlay_start_2:
0x95: {  	(tag) =	ssettag $0x2  }
0x96: {  	s0 =	rddreg [dreg:$0x0];
	s2 =	stileid.u32  }
0x97: {  	s1 =	rddreg [dreg:$0x1];
	p0 =	sne.s32 s2, $0x0  }
0x98: {  	s3 =	rddreg [dreg:$0x2];
	[bflag:$0x3] =	sbarrier.arrive $0xFFFF;
	s2 =	simm.s32 @!p0 $0x1C11  }
0x99: {  	[timem:s3], [sflag:s2] =	dma.local @!p0 [hbm:s0], s1  }
0x9a: {  	s0 =	simm.s32 @!p0 $0x11  }
0x9b: {  	_ =	swait.ge @!p0 [sflag:s0], s1  }
0x9c: {  	s1 =	ssub.s32 @!p0 $0x0, s1;
	[sflag:s0] =	ssyncset.done @!p0 $0x0  }
0x9d: {  	[sflag:s0] =	ssyncadd.s32 @!p0 s1  }
0x9e: {  	[bflag:$0x3] =	sbarrier.arrive $0xFFFF  }
0x9f: {  	_ =	shalt  }

// kernel: sparse-core-data-format-call.1.cloned.1.call-start
scs
called_computation.1_lowered:
.L_overlay_start_0:
0x0: {  	s2 =	sld [smem:$0x3FD9]  }
0x1: {  	s3 =	sld [smem:$0x3FFE];
	_ =	sdelay $0x1  }
0x2: {  	s1 =	srdreg.scid  }
0x3: {  	s0 =	sand.u32 $0x1, s1  }
0x4: {  	s18 =	sshll.u32 s0, $0xA;
	s2 =	sadd.s32 s3, s2  }
0x5: {  	s2 =	sadd.s32 s2, s18  }
0x6: {  	[smem:$0x3FC6] =	sst s2  }
0x7: {  	_ = 	snop  }
0x8: {  	s2 =	sld [smem:$0x3FC8];
	(tm) =	ssettm $0x1  }
0x9: {  	s19 =	sld [smem:$0x3FFB];
	_ =	sdelay $0x3  }
0xa: {  	_ =	strace s19  }
0xb: {  	s3 =	sld [smem:$0x3FFC];
	_ =	sdelay $0x3  }
0xc: {  	_ =	strace s3  }
0xd: {  	s3 =	sld [smem:$0x3FFD];
	_ =	sdelay $0x3  }
0xe: {  	_ =	strace s3  }
0xf: {  	_ =	strace $0x8FFFFFFF  }
0x10: {  	s20 =	sld [smem:$0x3FDB];
	_ =	sdelay $0x1  }
0x11: {  	s4 =	simm.s32 $_scs_section_size  }
0x12: {  	s5 =	simm.s32 $_size__tile_overlayer_lowered;
	s6 =	simm.s32 $_tile_overlayer_lowered  }
0x13: {  	s23 =	simm.s32 $0x1BFF;
	s22 =	sshll.u32 s6, $0x1;
	s3 =	sadd.s32 s4, s20  }
0x14: {  	s7 =	simm.s32 $0x0;
	s21 =	sshll.u32 s5, $0x1;
	s5 =	sadd.s32 s22, s3  }
0x15: {  	[timem:s7], [sflag:s23] =	dma.local [hbm:s5], s21  }
0x16: {  	_ =	swait.ge [sflag:s23], s21  }
0x17: {  	s4 =	ssub.s32 $0x0, s21;
	[sflag:s23] =	ssyncset.done $0x0  }
0x18: {  	[sflag:s23] =	ssyncadd.s32 s4;
	_ =	sdelay $0x1  }
0x19: {  	s24 =	simm.s32 $0x1B8B  }
0x1a: {  	_ =	swait.ge [sflag:s24], $0x1  }
0x1b: {  	[sflag:s24] =	ssyncset.done $0x0  }
0x1c: {  	s26 =	simm.s32 $0x1B8E;
	s25 =	sld [smem:$0x3FFE];
	[sflag:s24] =	ssyncadd.s32 $0xFFFFFFFF  }
0x1d: {  	s27 =	simm.s32 $execute0_lowered;
	[smem:$0x3FD2] =	sst s26  }
0x1e: {  	s5 =	sshll.u32 s27, $0x1;
	_ =	strace $0x80000046;
	[dreg:$0x1] =	wrdreg $0xFFFFFFFF  }
0x1f: {  	s28 =	simm.s32 $_size_execute0_lowered;
	s3 =	sadd.s32 s3, s5;
	[dreg:$0x0] =	wrdreg $0x0  }
0x20: {  	s5 =	sshll.u32 s28, $0x1;
	[dreg:$0x2] =	wrdreg s3  }
0x21: {  	[dreg:$0x3] =	wrdreg s5  }
0x22: {  	[dreg:$0x4] =	wrdreg $0xC0  }
0x23: {  	_ =	task [dreg:s7], $0x5FFFF  }
0x24: {  	[dreg:$0x1] =	wrdreg $0xFFFFFFFF  }
0x25: {  	[dreg:$0x0] =	wrdreg $0x60  }
0x26: {  	[dreg:$0x2] =	wrdreg s2  }
0x27: {  	[dreg:$0x3] =	wrdreg s25  }
0x28: {  	[dreg:$0x4] =	wrdreg $0x9  }
0x29: {  	_ =	task.clear_ibuf [dreg:s7], $0x5FFFF;
	_ =	strace $0x90000046  }
0x2a: {  	s29 =	simm.s32 $0x9;
	_ =	strace $0x80000048  }
0x2b: {  	_ =	swait.ge [sflag:s29], $0x1  }
0x2c: {  	[sflag:s29] =	ssyncadd.s32 $0xFFFFFFFF  }
0x2d: {  	_ =	strace $0x90000048  }
0x2e: {  	_ =	sfence  }
0x2f: {  	s30 =	sld [smem:$0x0];
	_ =	sdelay $0x2  }
0x30: {  	s31 =	sshll.u32 s1, $0xD;
	s1 =	sshrl.u32 s1, $0x2  }
0x31: {  	s3 =	sand.u32 $0x4000, s31;
	s1 =	sadd.s32 s1, s30  }
0x32: {  	s0 =	sor.u32 s3, s0;
	s1 =	sshll.u32 s1, $0x11  }
0x33: {  	s0 =	sor.u32 s1, s0  }
0x34: {  	s0 =	sadd.s32 $0x8F2B, s0  }
0x35: {  	[sflag:s0] =	ssyncadd.remote.s32 $0x1  }
0x36: {  	_ =	sfence.sel $0xFFFF  }
0x37: {  	[dreg:$0x0] =	wrdreg $0xFFFFFFFF;
	(pc) =	sbr.abs _section_cstart, $3  }
0x38: {  	[dreg:$0x1] =	wrdreg $0xFFFFFFFF  }
0x39: {  	_ =	task.clear_ibuf [dreg:s7], $0x2FFFF;
	_ =	strace $0x9FFFFFFF  }
0x3a: {  	(tm) =	ssettm $0x7FFFFFFF  }
0x3b: {  	_ =	shalt  }
tec
execute0_lowered:
.L_overlay_start_1:
0x0: {  	(tag) =	ssettag $0x1  }
0x1: {  	s0 =	srdreg.scid;
	s2 =	rddreg [dreg:$0x0]  }
0x2: {  	s5 =	rddreg [dreg:$0x1];
	s1 =	stileid.u32  }
0x3: {  	s4 =	simm.s32 $0x1;
	s6 =	simm.s32 $0x2;
	s15 =	simm.s32 $0x0  }
0x4: {  	p0 =	por $0x0, $0x0;
	s8 =	simm.s32 $0x80;
	s0 =	sshll.u32 s0, $0x4  }
0x5: {  	s14 =	simm.s32 $0x0;
	s9 =	simm.s32 $0x0;
	s3 =	sand.u32 $0x10, s0  }
.Ltmp0:
0x6: {  	s10 =	simm.s32 $0x0;
	s3 =	sor.u32 s1, s3;
	(pc) =	sbr.rel .LBB1_1-.Ltmp0, $4  }
0x7: {  	s0 =	rddreg [dreg:$0x2];
	_ =	strace $0x80000047;
	s3 =	sshll.u32 s3, $0x7  }
0x8: {  	s12 =	simm.s32 $0x0;
	[sflag:s4] =	ssyncpa.u1 $0x0;
	s7 =	ssub.s32 $0xF4200, s3  }
0x9: {  	s13 =	simm.s32 $0x0;
	[sflag:s6] =	ssyncpa.u1 $0x0;
	s6 =	sshrl.u32 s7, $0xC  }
0xa: {  	s5 =	sadd.s32 $0xE00, s5;
	s11 =	smov.u32 s3;
	s7 =	sadd.s32 $0x2, s6  }
.LBB1_5:
0xb: {  	p1 =	slt.u32 s13, $0x2  }
0xc: {  	s17 =	smov.u32 s15;
	p2 =	sgt.s32 @!p1 s15, $0xF41C0;
	s16 =	sshra.s32 @!p1 s15, $0x1F  }
0xd: {  	p3 =	sgt.s32 @!p1 s14, $0x40;
	s18 =	sshra.s32 @!p1 s14, $0x1F;
	p2 =	por !p2, p1  }
0xe: {  	s15 =	sand.u32 @!p1 s16, s15;
	p3 =	por !p3, p1;
	s16 =	smov.u32 s14  }
0xf: {  	s14 =	sand.u32 @!p1 s18, s14;
	s17 =	simm.s32 @p2 $0xF41C0;
	s16 =	simm.s32 @p3 $0x40  }
0x10: {  	s15 =	ssub.s32 @!p1 s17, s15;
	s14 =	ssub.s32 @!p1 s16, s14  }
0x11: {  	s18 =	smov.u32 s12;
	s16 =	sadd.s32 @!p1 $0xFFF0BE40, s15;
	s17 =	sadd.s32 @!p1 $0xFFFFFFC0, s14  }
0x12: {  	s15 =	ssub.s32 @!p1 $0xF4240, s15;
	p2 =	sgt.s32 @!p1 s16, $0x7F;
	p3 =	sgt.s32 @!p1 s17, $0x3F  }
0x13: {  	s14 =	ssub.s32 @!p1 $0x80, s14;
	p2 =	por !p2, p1;
	p3 =	por !p3, p1  }
0x14: {  	s16 =	sadd.s32 $0x1000, s11;
	s15 =	simm.s32 @!p2 $0x0;
	s14 =	simm.s32 @!p3 $0x0  }
0x15: {  	p2 =	sgt.s32 s16, $0xF423F;
	s14 =	smul.u32 @!p1 s14, s15;
	s15 =	sadd.s32 $0x40, s12  }
0x16: {  	s18 =	smov.u32 @p2 s15  }
0x17: {  	s16 =	smov.u32 @p2 s3;
	p2 =	sgt.s32 s18, $0x3F  }
0x18: {  	s18 =	simm.s32 @p2 $0x0;
	p2 =	sne.s32 s13, s7  }
.Ltmp1:
0x19: {  	p0 =	por !p0, !p0;
	s17 =	simm.s32 @!p1 $0x2;
	(pc) =	sbr.rel @!p2 .LBB1_6-.Ltmp1, $4  }
0x1a: {  	s15 =	smov.u32 s9;
	s9 =	smov.u32 s11;
	s14 =	sand.u32 @!p1 $0x3FFFFFFF, s14  }
0x1b: {  	s11 =	smov.u32 s16;
	_ =	swait.ge @!p1 [sflag:s17], s14;
	s19 =	ssub.s32 @!p1 $0x0, s14  }
0x1c: {  	s14 =	smov.u32 s10;
	s13 =	sadd.s32 $0x1, s13;
	[sflag:s17] =	ssyncset.done @!p1 $0x0  }
0x1d: {  	s10 =	smov.u32 s12;
	s12 =	smov.u32 s18;
	[sflag:s17] =	ssyncadd.s32 @!p1 s19  }
.LBB1_1:
0x1e: {  	p1 =	sgt.u32 s13, s6  }
0x1f: {  	s16 =	sshrl.u32 @!p1 s12, $0x3  }
0x20: {  	s17 =	sshll.u32 @!p1 s11, $0x3;
	s16 =	smul.u32 @!p1 $0x7A1400, s16  }
0x21: {  	s18 =	sshll.u32 @!p1 s12, $0x7;
	s17 =	sand.u32 @!p1 $0xFFFFFC00, s17  }
0x22: {  	s16 =	sadd.s32 @!p1 s16, s17;
	s17 =	sand.u32 @!p1 $0x380, s18  }
0x23: {  	s18 =	sand.u32 @!p1 $0x7F, s11;
	s16 =	sor.u32 @!p1 s17, s16  }
0x24: {  	s17 =	sor.u32 @!p1 s18, s16  }
0x25: {  	s18 =	smulhi.u32 @!p1 $0x218D6287, s17;
	_ =	sdelay $0x1  }
0x26: {  	s16 =	smulhi.u32 @!p1 $0x218D6287, s16;
	s18 =	sshrl.u32 @!p1 s18, $0x11  }
0x27: {  	s18 =	smul.u32 @!p1 $0xF4280, s18  }
0x28: {  	s19 =	sxor.u32 @!p1 $0xFFFFFFFF, s13;
	s16 =	sshrl.u32 @!p1 s16, $0x11  }
0x29: {  	s19 =	sshll.u32 @!p1 s19, $0xD;
	s16 =	sand.u32 @!p1 $0x3F, s16;
	s17 =	ssub.s32 @!p1 s17, s18  }
0x2a: {  	s16 =	smul.u32 @!p1 $0x1E850, s16;
	s18 =	sshrl.u32 @!p1 s17, $0x3;
	s17 =	sand.u32 @!p1 $0x7, s17  }
0x2b: {  	s19 =	sand.u32 @!p1 $0x2000, s19;
	s18 =	sadd.s32 @!p1 s2, s18;
	s17 =	sshll.u32 @!p1 s17, $0x12  }
0x2c: {  	s16 =	sadd.s32 @!p1 s16, s18;
	s17 =	sor.u32 @!p1 $0x400, s17;
	s18 =	simm.s32 @!p1 $0x7A1400  }
0x2d: {  	[tilespmem:s19], [sflag:$0x1] =	stream.strided.gather @!p1 [hbm4b:s16+s17], $0x2000, s18, s17, $0x38;
	[tilespmem:$0x8100] =	vst v63  }
0x2e: {  	p1 =	seq.s32 s13, $0x0  }
0x2f: {  	p2 =	sge.u32 @!p1 s13, s7  }
0x30: {  	p1 =	por p1, p2  }
.Ltmp2:
0x31: {  	_ = 	snop;
	(pc) =	sbr.rel @p1 .LBB1_5-.Ltmp2, $1  }
0x32: {  	_ =	sdelay $0x3  }
0x33: {  	s16 =	simm.s32 $0x1  }
0x34: {  	_ =	swait.ge [sflag:s4], $0x2000;
	s16 =	simm.s32 @!p0 $0x0  }
0x35: {  	[sflag:s4] =	ssyncset.done $0x0;
	s17 =	sshll.u32 s16, $0xD  }
0x36: {  	[sflag:s4] =	ssyncadd.s32 $0xFFFFE000;
	s17 =	sor.u32 $0x40, s17  }
0x37: {  	s16 =	smul.u32 $0x8200, s16;
	v0 =	vld [tilespmem:s17+$0x30]  }
0x38: {  	v1 =	vld [tilespmem:s17+$0xFFFFFFD0]  }
0x39: {  	s16 =	sshrl.u32 s16, $0x2;
	v5 =	vld [tilespmem:s17+$0xFFFFFFE0]  }
0x3a: {  	v6 =	vld [tilespmem:s17+$0xFFFFFFF0];
	s19 =	sor.u32 $0x4000, s16  }
0x3b: {  	s31 =	sand.u32 $0x1, s13;
	v4 =	vld [tilespmem:s17+$0x0];
	s18 =	sadd.s32 $0x0, s19  }
0x3c: {  	v3 =	vld [tilespmem:s17+$0x10];
	s16 =	smul.u32 $0x8200, s31;
	[tilespmem:s18+$0x1C70 ss:$0x41] =	vst.msk $0xffff, v0  }
0x3d: {  	v2 =	vld [tilespmem:s17+$0x20];
	[tilespmem:s18+$0x410 ss:$0x41] =	vst.msk $0xffff, v1  }
0x3e: {  	s16 =	sshrl.u32 s16, $0x2;
	v1 =	vld [tilespmem:s17+$0xFFFFFFC0];
	[tilespmem:s18+$0x820 ss:$0x41] =	vst.msk $0xffff, v5;
	s17 =	sadd.s32 $0x80, s17  }
0x3f: {  	s20 =	simm.s32 $0x4;
	s21 =	simm.s32 $0x8;
	s16 =	sor.u32 $0x4000, s16;
	[tilespmem:s18+$0xC30 ss:$0x41] =	vst.msk $0xffff, v6;
	v0 =	vld [tilespmem:s17+$0x30]  }
.LBB1_3:
0x40: {  	p1 =	sne.s32 s21, $0xFC;
	v5 =	vld [tilespmem:s17+$0xFFFFFFD0];
	[tilespmem:s18+$0x1040 ss:$0x41] =	vst.msk $0xffff, v4  }
0x41: {  	v6 =	vld [tilespmem:s17+$0xFFFFFFE0];
	[tilespmem:s18+$0x1450 ss:$0x41] =	vst.msk $0xffff, v3  }
0x42: {  	s22 =	sshra.s32 s20, $0x2;
	s20 =	smov.u32 s21;
	v7 =	vld [tilespmem:s17+$0xFFFFFFF0];
	[tilespmem:s18+$0x1860 ss:$0x41] =	vst.msk $0xffff, v2  }
.Ltmp3:
0x43: {  	v4 =	vld [tilespmem:s17+$0x0];
	[tilespmem:s18+$0x0 ss:$0x41] =	vst.msk $0xffff, v1;
	s18 =	sadd.s32 s22, s19;
	(pc) =	sbr.rel @p1 .LBB1_3-.Ltmp3, $4  }
0x44: {  	v3 =	vld [tilespmem:s17+$0x10];
	[tilespmem:s18+$0x1C70 ss:$0x41] =	vst.msk $0xffff, v0  }
0x45: {  	[tilespmem:s18+$0x410 ss:$0x41] =	vst.msk $0xffff, v5;
	v2 =	vld [tilespmem:s17+$0x20]  }
0x46: {  	v1 =	vld [tilespmem:s17+$0xFFFFFFC0];
	[tilespmem:s18+$0x820 ss:$0x41] =	vst.msk $0xffff, v6;
	s17 =	sadd.s32 $0x80, s17  }
0x47: {  	s21 =	sadd.s32 $0x4, s21;
	v0 =	vld [tilespmem:s17+$0x30];
	[tilespmem:s18+$0xC30 ss:$0x41] =	vst.msk $0xffff, v7  }
0x48: {  	s21 =	sshll.u32 s9, $0x7;
	s22 =	sshll.u32 s10, $0x3;
	s20 =	sshra.s32 s20, $0x2  }
0x49: {  	p1 =	sgt.s32 s9, $0xF41C0;
	s30 =	sshra.s32 s9, $0x1F;
	s25 =	sshra.s32 s10, $0x1F  }
0x4a: {  	v5 =	vld [tilespmem:s17+$0xFFFFFFD0];
	s28 =	sshrl.u32 s10, $0x3;
	s23 =	sand.u32 $0xFFFFFC00, s21;
	s22 =	sand.u32 $0xFFFFFC00, s22  }
0x4b: {  	[tilespmem:s18+$0x1040 ss:$0x41] =	vst.msk $0xffff, v4;
	v58 =	vld [tilespmem:s17+$0xFFFFFFE0];
	s21 =	sand.u32 $0x380, s21;
	s19 =	sadd.s32 s20, s19;
	s22 =	sadd.s32 s22, s23  }
0x4c: {  	v59 =	vld [tilespmem:s17+$0xFFFFFFF0];
	[tilespmem:s18+$0x1450 ss:$0x41] =	vst.msk $0xffff, v3;
	s29 =	sor.u32 s21, s22;
	s21 =	smov.u32 s9;
	s22 =	sand.u32 s30, s9  }
0x4d: {  	v60 =	vld [tilespmem:s17+$0x0];
	[tilespmem:s18+$0x1860 ss:$0x41] =	vst.msk $0xffff, v2;
	s30 =	sand.u32 $0x7, s10;
	s20 =	sshrl.u32 s29, $0x7;
	s21 =	simm.s32 @!p1 $0xF41C0  }
0x4e: {  	v61 =	vld [tilespmem:s17+$0x10];
	[tilespmem:s18+$0x0 ss:$0x41] =	vst.msk $0xffff, v1;
	p1 =	sgt.s32 s10, $0x40;
	s24 =	ssub.s32 s21, s22;
	s21 =	smov.u32 s10  }
0x4f: {  	v62 =	vld [tilespmem:s17+$0x20];
	[tilespmem:s19+$0x1C70 ss:$0x41] =	vst.msk $0xffff, v0;
	s31 =	smulhi.u32 $0x218DEF5, s20;
	s22 =	sand.u32 s25, s10;
	s21 =	simm.s32 @!p1 $0x40  }
0x50: {  	v63 =	vld [tilespmem:s17+$0xFFFFFFC0];
	[tilespmem:s19+$0x410 ss:$0x41] =	vst.msk $0xffff, v5;
	s26 =	sadd.s32 $0xFFF0BE40, s24;
	s17 =	ssub.s32 $0xF4240, s24;
	s21 =	ssub.s32 s21, s22  }
0x51: {  	[tilespmem:s19+$0x820 ss:$0x41] =	vst.msk $0xffff, v58;
	s23 =	sshrl.u32 s31, $0xD;
	p1 =	sgt.s32 s26, $0x7F;
	s27 =	sadd.s32 $0xFFFFFFC0, s21  }
0x52: {  	[tilespmem:s19+$0xC30 ss:$0x41] =	vst.msk $0xffff, v59;
	s23 =	smul.u32 $0xF4240, s23;
	s18 =	ssub.s32 $0x80, s21;
	p2 =	sgt.s32 s27, $0x3F  }
.Ltmp4:
0x53: {  	[tilespmem:s19+$0x1040 ss:$0x41] =	vst.msk $0xffff, v60;
	s17 =	simm.s32 @p1 $0x0;
	s18 =	simm.s32 @p2 $0x0;
	(pc) =	sbr.rel .LBB1_5-.Ltmp4, $4  }
0x54: {  	s29 =	sand.u32 $0xF, s28;
	[tilespmem:s19+$0x1450 ss:$0x41] =	vst.msk $0xffff, v61;
	s20 =	ssub.s32 s20, s23;
	s17 =	smul.u32 s18, s17  }
0x55: {  	[tilespmem:s19+$0x1860 ss:$0x41] =	vst.msk $0xffff, v62;
	s21 =	sshll.u32 s30, $0x12;
	s20 =	sshll.u32 s20, $0x4;
	s18 =	sadd.s32 s5, s29  }
0x56: {  	[tilespmem:s19+$0x0 ss:$0x41] =	vst.msk $0xffff, v63;
	s31 =	sor.u32 $0x40, s21;
	s18 =	sadd.s32 s20, s18;
	s17 =	sand.u32 $0x3FFFFFFF, s17  }
0x57: {  	[hbm4b:s18+s31] =	stream.strided.scatter [tilespmem:s16], [sflag:$0x2], s17, s8, s31, $0x18;
	[tilespmem:$0x8100] =	vst v63  }
.LBB1_6:
0x58: {  	_ =	sfence.sel $0x180000  }
0x59: {  	s2 =	simm.s32 $0x1;
	[bflag:$0x0] =	sbarrier.arrive $0xFFFF  }
0x5a: {  	s31 =	simm.s32 $0x2;
	[sflag:s2] =	ssyncpa.u1 $0x1  }
0x5b: {  	[sflag:s31] =	ssyncpa.u1 $0x1  }
0x5c: {  	p0 =	sne.s32 s1, $0x0;
	_ =	strace $0x90000047  }
0x5d: {  	s0 =	sadd.s32 @!p0 $0x100000, s0;
	[bflag:$0x2] =	sbarrier.arrive $0xFFFF  }
0x5e: {  	[sflag:s0] =	ssyncadd.tile.s32 @!p0 $0x1;
	_ =	shalt  }
.Lfunc_end1:
_tile_overlayer_lowered:
.L_overlay_start_2:
0x5f: {  	(tag) =	ssettag $0x2  }
0x60: {  	s0 =	rddreg [dreg:$0x0];
	s2 =	stileid.u32  }
0x61: {  	s1 =	rddreg [dreg:$0x1];
	p0 =	sne.s32 s2, $0x0  }
0x62: {  	s3 =	rddreg [dreg:$0x2];
	[bflag:$0x3] =	sbarrier.arrive $0xFFFF;
	s2 =	simm.s32 @!p0 $0x1C01  }
0x63: {  	[timem:s3], [sflag:s2] =	dma.local @!p0 [hbm:s0], s1  }
0x64: {  	s0 =	simm.s32 @!p0 $0x1  }
0x65: {  	_ =	swait.ge @!p0 [sflag:s0], s1  }
0x66: {  	s1 =	ssub.s32 @!p0 $0x0, s1;
	[sflag:s0] =	ssyncset.done @!p0 $0x0  }
0x67: {  	[sflag:s0] =	ssyncadd.s32 @!p0 s1  }
0x68: {  	[bflag:$0x3] =	sbarrier.arrive $0xFFFF  }
0x69: {  	_ =	shalt  }

// kernel: sparse-core-data-format-call.cloned.1.call-start
scs
called_computation_lowered:
.L_overlay_start_0:
0x0: {  	s2 =	sld [smem:$0x3FD9]  }
0x1: {  	s3 =	sld [smem:$0x3FFE];
	_ =	sdelay $0x1  }
0x2: {  	s1 =	srdreg.scid  }
0x3: {  	s0 =	sand.u32 $0x1, s1  }
0x4: {  	s18 =	sshll.u32 s0, $0xA;
	s2 =	sadd.s32 s3, s2  }
0x5: {  	s2 =	sadd.s32 s2, s18  }
0x6: {  	[smem:$0x3FC6] =	sst s2  }
0x7: {  	_ = 	snop  }
0x8: {  	s2 =	sld [smem:$0x3FD0];
	(tm) =	ssettm $0x1  }
0x9: {  	s19 =	sld [smem:$0x3FFB];
	_ =	sdelay $0x3  }
0xa: {  	_ =	strace s19  }
0xb: {  	s3 =	sld [smem:$0x3FFC];
	_ =	sdelay $0x3  }
0xc: {  	_ =	strace s3  }
0xd: {  	s3 =	sld [smem:$0x3FFD];
	_ =	sdelay $0x3  }
0xe: {  	_ =	strace s3  }
0xf: {  	_ =	strace $0x8FFFFFFF  }
0x10: {  	s20 =	sld [smem:$0x3FDB];
	_ =	sdelay $0x1  }
0x11: {  	s4 =	simm.s32 $_scs_section_size  }
0x12: {  	s5 =	simm.s32 $_size__tile_overlayer_lowered;
	s6 =	simm.s32 $_tile_overlayer_lowered  }
0x13: {  	s23 =	simm.s32 $0x1BFF;
	s22 =	sshll.u32 s6, $0x1;
	s3 =	sadd.s32 s4, s20  }
0x14: {  	s7 =	simm.s32 $0x0;
	s21 =	sshll.u32 s5, $0x1;
	s5 =	sadd.s32 s22, s3  }
0x15: {  	[timem:s7], [sflag:s23] =	dma.local [hbm:s5], s21  }
0x16: {  	_ =	swait.ge [sflag:s23], s21  }
0x17: {  	s4 =	ssub.s32 $0x0, s21;
	[sflag:s23] =	ssyncset.done $0x0  }
0x18: {  	[sflag:s23] =	ssyncadd.s32 s4;
	_ =	sdelay $0x1  }
0x19: {  	s24 =	simm.s32 $0x1B8B  }
0x1a: {  	_ =	swait.ge [sflag:s24], $0x1  }
0x1b: {  	[sflag:s24] =	ssyncset.done $0x0  }
0x1c: {  	s26 =	simm.s32 $0x1B8E;
	s25 =	sld [smem:$0x3FFE];
	[sflag:s24] =	ssyncadd.s32 $0xFFFFFFFF  }
0x1d: {  	s27 =	simm.s32 $execute0_lowered;
	[smem:$0x3FD2] =	sst s26  }
0x1e: {  	s5 =	sshll.u32 s27, $0x1;
	_ =	strace $0x8000004C;
	[dreg:$0x1] =	wrdreg $0xFFFFFFFF  }
0x1f: {  	s28 =	simm.s32 $_size_execute0_lowered;
	s3 =	sadd.s32 s3, s5;
	[dreg:$0x0] =	wrdreg $0x0  }
0x20: {  	s5 =	sshll.u32 s28, $0x1;
	[dreg:$0x2] =	wrdreg s3  }
0x21: {  	[dreg:$0x3] =	wrdreg s5  }
0x22: {  	[dreg:$0x4] =	wrdreg $0xC0  }
0x23: {  	_ =	task [dreg:s7], $0x5FFFF  }
0x24: {  	[dreg:$0x1] =	wrdreg $0xFFFFFFFF  }
0x25: {  	[dreg:$0x0] =	wrdreg $0x60  }
0x26: {  	[dreg:$0x2] =	wrdreg s25  }
0x27: {  	[dreg:$0x3] =	wrdreg s2  }
0x28: {  	[dreg:$0x4] =	wrdreg $0x9  }
0x29: {  	_ =	task.clear_ibuf [dreg:s7], $0x5FFFF;
	_ =	strace $0x9000004C  }
0x2a: {  	s29 =	simm.s32 $0x9;
	_ =	strace $0x8000004E  }
0x2b: {  	_ =	swait.ge [sflag:s29], $0x1  }
0x2c: {  	[sflag:s29] =	ssyncadd.s32 $0xFFFFFFFF  }
0x2d: {  	_ =	strace $0x9000004E  }
0x2e: {  	_ =	sfence  }
0x2f: {  	s30 =	sld [smem:$0x0];
	_ =	sdelay $0x2  }
0x30: {  	s31 =	sshll.u32 s1, $0xD;
	s1 =	sshrl.u32 s1, $0x2  }
0x31: {  	s3 =	sand.u32 $0x4000, s31;
	s1 =	sadd.s32 s1, s30  }
0x32: {  	s0 =	sor.u32 s3, s0;
	s1 =	sshll.u32 s1, $0x11  }
0x33: {  	s0 =	sor.u32 s1, s0  }
0x34: {  	s0 =	sadd.s32 $0x8F2B, s0  }
0x35: {  	[sflag:s0] =	ssyncadd.remote.s32 $0x1  }
0x36: {  	_ =	sfence.sel $0xFFFF  }
0x37: {  	[dreg:$0x0] =	wrdreg $0xFFFFFFFF;
	(pc) =	sbr.abs _section_cstart, $3  }
0x38: {  	[dreg:$0x1] =	wrdreg $0xFFFFFFFF  }
0x39: {  	_ =	task.clear_ibuf [dreg:s7], $0x2FFFF;
	_ =	strace $0x9FFFFFFF  }
0x3a: {  	(tm) =	ssettm $0x7FFFFFFF  }
0x3b: {  	_ =	shalt  }
tec
execute0_lowered:
.L_overlay_start_1:
0x0: {  	(tag) =	ssettag $0x1  }
0x1: {  	s0 =	srdreg.scid  }
0x2: {  	s1 =	sshll.u32 s0, $0x4  }
0x3: {  	s0 =	stileid.u32;
	s1 =	sand.u32 $0x10, s1  }
0x4: {  	s1 =	sor.u32 s0, s1  }
0x5: {  	s6 =	rddreg [dreg:$0x0];
	s4 =	simm.s32 $0x1;
	s2 =	sshll.u32 s1, $0x7  }
0x6: {  	s7 =	simm.s32 $0x2;
	s12 =	simm.s32 $0x0;
	s1 =	ssub.s32 $0x1000, s2  }
0x7: {  	s8 =	simm.s32 $0x8000;
	s13 =	simm.s32 $0x0;
	s3 =	sand.u32 $0xF80, s1  }
0x8: {  	s9 =	simm.s32 $0x0;
	s5 =	sshrl.u32 s1, $0xC;
	p0 =	sne.s32 s3, $0x0  }
.Ltmp0:
0x9: {  	s1 =	rddreg [dreg:$0x2];
	s4 =	simm.s32 @!p0 $0x0;
	(pc) =	sbr.rel .LBB1_1-.Ltmp0, $4  }
0xa: {  	s11 =	simm.s32 $0x0;
	s3 =	rddreg [dreg:$0x1];
	s5 =	sadd.s32 s4, s5  }
0xb: {  	_ =	strace $0x8000004D;
	s4 =	simm.s32 $0x1;
	s5 =	smul.u32 $0xC8, s5  }
0xc: {  	s6 =	sadd.s32 $0xE00, s6;
	s10 =	smov.u32 s2;
	[sflag:s4] =	ssyncpa.u1 $0x0  }
0xd: {  	p0 =	por $0x0, $0x0;
	[sflag:s7] =	ssyncpa.u1 $0x0;
	s7 =	sor.u32 $0x1, s5  }
.LBB1_4:
0xe: {  	s16 =	sshll.u32 s13, $0x3;
	s17 =	sand.u32 $0x78, s13  }
0xf: {  	s30 =	sand.u32 $0x7E00, s13;
	s12 =	sshll.u32 s12, $0xF;
	s16 =	sand.u32 $0xC00, s16  }
0x10: {  	[tilespmem:s15+$0x810 ss:$0x81] =	vst.msk $0xffff, v2;
	s31 =	sand.u32 $0x7, s13;
	s16 =	sor.u32 s17, s16;
	s17 =	sadd.s32 s3, s30  }
0x11: {  	[tilespmem:s15+$0x1020 ss:$0x81] =	vst.msk $0xffff, v0;
	s13 =	sshll.u32 s31, $0x12;
	s12 =	sadd.s32 s12, s17;
	s16 =	sshrl.u32 s16, $0x3  }
0x12: {  	[tilespmem:s15+$0x0 ss:$0x81] =	vst.msk $0xffff, v1;
	s13 =	sor.u32 $0x400, s13;
	s12 =	sadd.s32 s16, s12  }
0x13: {  	[hbm4b:s12+s13] =	stream.strided.scatter [tilespmem:s14], [sflag:$0x2], $0x2000, s8, s13, $0x20;
	[tilespmem:$0x8080] =	vst v63  }
.LBB1_5:
0x14: {  	s14 =	sadd.s32 $0x1, s9  }
0x15: {  	s12 =	sadd.s32 $0x1000, s10;
	s16 =	smov.u32 s10;
	p2 =	sgt.s32 s14, $0xC7  }
0x16: {  	s16 =	smov.u32 @p2 s12  }
0x17: {  	s14 =	simm.s32 @p2 $0x0;
	p2 =	sgt.s32 s16, $0xFFF  }
0x18: {  	s16 =	smov.u32 @p2 s2;
	p2 =	sne.s32 s11, s7  }
.Ltmp1:
0x19: {  	p1 =	slt.u32 s11, $0x2;
	(pc) =	sbr.rel @!p2 .LBB1_6-.Ltmp1, $4  }
0x1a: {  	s15 =	simm.s32 @!p1 $0x2  }
0x1b: {  	s13 =	smov.u32 s10;
	p0 =	por !p0, !p0;
	_ =	swait.ge @!p1 [sflag:s15], $0x2000  }
0x1c: {  	s12 =	smov.u32 s9;
	[sflag:s15] =	ssyncset.done @!p1 $0x0;
	s9 =	smov.u32 s14  }
0x1d: {  	s11 =	sadd.s32 $0x1, s11;
	[sflag:s15] =	ssyncadd.s32 @!p1 $0xFFFFE000;
	s10 =	smov.u32 s16  }
.LBB1_1:
0x1e: {  	p1 =	sge.u32 s11, s5  }
0x1f: {  	s14 =	sand.u32 @!p1 $0x1FFFFFF, s9  }
0x20: {  	s15 =	smulhi.u32 @!p1 $0x147AE15, s14;
	_ =	sdelay $0x1  }
0x21: {  	s15 =	smul.u32 @!p1 $0xC8, s15  }
0x22: {  	s16 =	sxor.u32 @!p1 $0xFFFFFFFF, s11;
	s17 =	smul.u32 @!p1 $0xC80, s10  }
0x23: {  	s31 =	sadd.s32 $0xFFFFFFFF, s11;
	s16 =	sshll.u32 @!p1 s16, $0xD;
	s14 =	ssub.s32 @!p1 s14, s15  }
0x24: {  	s15 =	sand.u32 @!p1 $0x2000, s16;
	s16 =	sadd.s32 @!p1 s6, s17;
	s14 =	sshll.u32 @!p1 s14, $0x4  }
0x25: {  	s17 =	simm.s32 @!p1 $0x6400;
	s14 =	sadd.s32 @!p1 s14, s16;
	s16 =	simm.s32 @!p1 $0x40  }
0x26: {  	[tilespmem:s15], [sflag:$0x1] =	stream.strided.gather @!p1 [hbm4b:s14+s16], $0x2000, s17, s16, $0x38;
	[tilespmem:$0x8080] =	vst v63  }
0x27: {  	p1 =	sge.u32 s31, s5  }
.Ltmp2:
0x28: {  	_ = 	snop;
	(pc) =	sbr.rel @p1 .LBB1_5-.Ltmp2, $1  }
0x29: {  	_ =	sdelay $0x3  }
0x2a: {  	s14 =	simm.s32 $0x1  }
0x2b: {  	_ =	swait.ge [sflag:s4], $0x2000;
	s14 =	simm.s32 @!p0 $0x0  }
0x2c: {  	[sflag:s4] =	ssyncset.done $0x0;
	s15 =	sshll.u32 s14, $0xD  }
0x2d: {  	[sflag:s4] =	ssyncadd.s32 $0xFFFFE000;
	s18 =	sor.u32 $0x20, s15  }
0x2e: {  	s14 =	smul.u32 $0x8100, s14;
	v3 =	vld [tilespmem:s18+$0x10]  }
0x2f: {  	s30 =	sand.u32 $0x1, s11;
	v2 =	vld [tilespmem:s18+$0xFFFFFFF0]  }
0x30: {  	s15 =	smul.u32 $0x8100, s30;
	s14 =	sshrl.u32 s14, $0x2;
	v0 =	vld [tilespmem:s18+$0x0]  }
0x31: {  	v1 =	vld [tilespmem:s18+$0xFFFFFFE0];
	s16 =	sor.u32 $0x4000, s14  }
0x32: {  	s31 =	sshrl.u32 s15, $0x2;
	s15 =	sadd.s32 $0x0, s16  }
0x33: {  	s17 =	simm.s32 $0x4;
	s18 =	sadd.s32 $0x40, s18;
	s14 =	sor.u32 $0x4000, s31;
	[tilespmem:s15+$0x1830 ss:$0x81] =	vst.msk $0xffff, v3  }
.LBB1_3:
0x34: {  	v3 =	vld [tilespmem:s18+$0x10];
	p1 =	sne.s32 s17, $0x1FC;
	[tilespmem:s15+$0x810 ss:$0x81] =	vst.msk $0xffff, v2;
	s19 =	smov.u32 s17;
	s17 =	sadd.s32 $0x4, s17  }
.Ltmp3:
0x35: {  	v2 =	vld [tilespmem:s18+$0xFFFFFFF0];
	[tilespmem:s15+$0x1020 ss:$0x81] =	vst.msk $0xffff, v0;
	(pc) =	sbr.rel @p1 .LBB1_3-.Ltmp3, $4  }
0x36: {  	v0 =	vld [tilespmem:s18+$0x0];
	[tilespmem:s15+$0x0 ss:$0x81] =	vst.msk $0xffff, v1  }
0x37: {  	s15 =	sshra.s32 s19, $0x2;
	v1 =	vld [tilespmem:s18+$0xFFFFFFE0]  }
0x38: {  	s15 =	sadd.s32 s15, s16  }
0x39: {  	s18 =	sadd.s32 $0x40, s18;
	[tilespmem:s15+$0x1830 ss:$0x81] =	vst.msk $0xffff, v3  }
.Ltmp4:
0x3a: {  	_ = 	snop;
	(pc) =	sbr.rel .LBB1_4-.Ltmp4, $1  }
0x3b: {  	_ =	sdelay $0x3  }
.LBB1_6:
0x3c: {  	_ =	sfence.sel $0x180000  }
0x3d: {  	s2 =	simm.s32 $0x1;
	[bflag:$0x0] =	sbarrier.arrive $0xFFFF  }
0x3e: {  	s31 =	simm.s32 $0x2;
	[sflag:s2] =	ssyncpa.u1 $0x1  }
0x3f: {  	[sflag:s31] =	ssyncpa.u1 $0x1  }
0x40: {  	p0 =	sne.s32 s0, $0x0;
	_ =	strace $0x9000004D  }
0x41: {  	s0 =	sadd.s32 @!p0 $0x100000, s1;
	[bflag:$0x2] =	sbarrier.arrive $0xFFFF  }
0x42: {  	[sflag:s0] =	ssyncadd.tile.s32 @!p0 $0x1;
	_ =	shalt  }
.Lfunc_end1:
_tile_overlayer_lowered:
.L_overlay_start_2:
0x43: {  	(tag) =	ssettag $0x2  }
0x44: {  	s0 =	rddreg [dreg:$0x0];
	s2 =	stileid.u32  }
0x45: {  	s1 =	rddreg [dreg:$0x1];
	p0 =	sne.s32 s2, $0x0  }
0x46: {  	s3 =	rddreg [dreg:$0x2];
	[bflag:$0x3] =	sbarrier.arrive $0xFFFF;
	s2 =	simm.s32 @!p0 $0x1C01  }
0x47: {  	[timem:s3], [sflag:s2] =	dma.local @!p0 [hbm:s0], s1  }
0x48: {  	s0 =	simm.s32 @!p0 $0x1  }
0x49: {  	_ =	swait.ge @!p0 [sflag:s0], s1  }
0x4a: {  	s1 =	ssub.s32 @!p0 $0x0, s1;
	[sflag:s0] =	ssyncset.done @!p0 $0x0  }
0x4b: {  	[sflag:s0] =	ssyncadd.s32 @!p0 s1  }
0x4c: {  	[bflag:$0x3] =	sbarrier.arrive $0xFFFF  }
0x4d: {  	_ =	shalt  }

</sc_bundles>
